<compile_context>
chip_gen: v7x
topology: tpu7x:2x2x1
jax: 0.10.2.dev20260603
libtpu: 0.0.44.dev20260713+nightly
codegen_flags: <defaults>
</compile_context>

<pallas_src>
import functools

import jax
import jax.numpy as jnp
from jax import lax
from jax.experimental import pallas as pl
from jax.experimental.pallas import tpu as pltpu
from jax.experimental.pallas import tpu_sc as plsc

_NUM_CORES = 2
_NUM_SUBCORES = 16
_NUM_WORKERS = _NUM_CORES * _NUM_SUBCORES

_CH = 128
_NBUF = 8


@jax.jit
def _embedding_lookup(idx2d, table):
    n_blocks, ch = idx2d.shape
    v, d = table.shape
    n = n_blocks * ch
    blocks_per_w = n_blocks // _NUM_WORKERS
    rows_per_w = blocks_per_w * ch

    mesh = plsc.VectorSubcoreMesh(core_axis_name="c", subcore_axis_name="s")

    @functools.partial(
        pl.kernel,
        out_type=jax.ShapeDtypeStruct((n, d), jnp.float32),
        mesh=mesh,
        scratch_types=[
            pltpu.VMEM((blocks_per_w, ch), jnp.int32),
            pltpu.VMEM((_NBUF, ch, d), jnp.float32),
            pltpu.SemaphoreType.DMA((_NBUF,)),
            pltpu.SemaphoreType.DMA((_NBUF,)),
        ],
        compiler_params=pltpu.CompilerParams(use_tc_tiling_on_sc=False),
    )
    def emb(idx_hbm, table_hbm, out_hbm, idx_v, rows_v, gsem, wsem):
        wid = lax.axis_index("s") * _NUM_CORES + lax.axis_index("c")
        blk0 = wid * blocks_per_w
        base = wid * rows_per_w

        pltpu.sync_copy(idx_hbm.at[pl.ds(blk0, blocks_per_w)], idx_v)

        def start_gather(g, b):
            pltpu.async_copy(table_hbm.at[idx_v.at[g]], rows_v.at[b], gsem.at[b])

        def wait_gather(b):
            pltpu.make_async_copy(
                table_hbm.at[pl.ds(0, ch)], rows_v.at[b], gsem.at[b]
            ).wait()

        def start_write(g, b):
            pltpu.async_copy(
                rows_v.at[b], out_hbm.at[pl.ds(base + g * ch, ch)], wsem.at[b]
            )

        def wait_write(b):
            pltpu.make_async_copy(
                table_hbm.at[pl.ds(0, ch)], rows_v.at[b], wsem.at[b]
            ).wait()

        for b in range(_NBUF):
            start_gather(b, b)

        @pl.loop(0, blocks_per_w // _NBUF - 1)
        def _(it):
            g0 = it * _NBUF
            for b in range(_NBUF):
                wait_gather(b)
                start_write(g0 + b, b)
            for b in range(_NBUF):
                wait_write(b)
                start_gather(g0 + _NBUF + b, b)

        g0 = blocks_per_w - _NBUF
        for b in range(_NBUF):
            wait_gather(b)
            start_write(g0 + b, b)
        for b in range(_NBUF):
            wait_write(b)

    return emb(idx2d, table)


def kernel(inputs, table):
    batch, seq = inputs.shape
    _, d = table.shape
    n = batch * seq
    idx2d = inputs.reshape(n // _CH, _CH).astype(jnp.int32)
    out = _embedding_lookup(idx2d, table)
    return out.reshape(batch, seq, d)

# --- scband reference (transcript-rebuilt; emitter-appended) ---
"""Pipeline reference for scband-embedding-670014898290 (READ-ONLY COPY).

The authoritative reference and input builder live on the scoring server;
editing this copy changes nothing except your own understanding.
"""

import jax, jax.numpy as jnp
import numpy as np

VOCAB = 1000000
D_MODEL = 64
BATCH = 4096
SEQ = 200

def setup_inputs(seed: int = 0) -> dict:
    key = jax.random.key(seed)
    k_idx, k_tab = jax.random.split(key)
    inputs = jax.random.randint(k_idx, (BATCH, SEQ), 0, VOCAB, dtype=jnp.int64 if jax.config.jax_enable_x64 else jnp.int32)
    table = jax.random.normal(k_tab, (VOCAB, D_MODEL), dtype=jnp.float32)
    # padding_idx=0: row 0 is zero in nn.Embedding
    table = table.at[0].set(0.0)
    return {"inputs": inputs, "table": table}

def reference(inputs, table):
    # Faithful to nn.Embedding(vocabulary_size, d_model, padding_idx=0)(inputs)
    # padding_idx only affects initialization/grad; lookup is a plain gather.
    emb = jnp.take(table, inputs, axis=0)
    return emb

if __name__ == "__main__":
    import jax
    _d = setup_inputs()
    print(jax.jit(kernel)(*tuple(_d.values())))

</pallas_src>

<mosaic_0001>
#map = affine_map<(d0, d1) -> (0, 0)>
module attributes {stable_mosaic.version = 14 : i64} {
  func.func @emb(%arg0: i32, %arg1: i32, %arg2: memref<6400x128xi32, #tpu.memory_space<hbm>>, %arg3: memref<1000000x64xf32, #tpu.memory_space<hbm>>, %arg4: memref<819200x64xf32, #tpu.memory_space<hbm>>, %arg5: memref<200x128xi32, #tpu.memory_space<vmem>>, %arg6: memref<8x128x64xf32, #tpu.memory_space<vmem>>, %arg7: memref<8x!tpu.dma_semaphore, #tpu.memory_space<semaphore_mem>>, %arg8: memref<8x!tpu.dma_semaphore, #tpu.memory_space<semaphore_mem>>) attributes {dimension_semantics = [#tpu.dimension_semantics<core_parallel>, #tpu.dimension_semantics<subcore_parallel>], iteration_bounds = array<i64: 2, 16>, scalar_prefetch = 0 : i64, scratch_operands = 4 : i64, tpu.core_type = #tpu.core_type<sc_vector_subcore>, window_params = [{transform_indices = #map}, {transform_indices = #map}, {transform_indices = #map}]} {
    %mul3A = arith.constant 2 : i32
    %mul3A_0 = arith.muli %arg1, %mul3A : i32
    %add3A = arith.addi %mul3A_0, %arg0 : i32
    %mul3A_1 = arith.constant 200 : i32
    %mul3A_2 = arith.muli %add3A, %mul3A_1 : i32
    %mul3A_3 = arith.constant 25600 : i32
    %mul3A_4 = arith.muli %add3A, %mul3A_3 : i32
    "tpu.region"() ({
      %run_scoped3A = tpu.sem_alloc : memref<!tpu.dma_semaphore, #tpu.memory_space<semaphore_mem>>
      %dma_start3A_559 = arith.constant 0 : i32
      %dma_start3A_560 = tpu.memref_slice %arg2[%mul3A_2, %dma_start3A_559] : memref<6400x128xi32, #tpu.memory_space<hbm>> -> memref<200x128xi32, #tpu.memory_space<hbm>>
      %dma_start3A_561 = arith.constant 0 : i32
      %dma_start3A_562 = tpu.memref_slice %arg2[%mul3A_2, %dma_start3A_561] : memref<6400x128xi32, #tpu.memory_space<hbm>> -> memref<200x128xi32, #tpu.memory_space<hbm>>
      tpu.enqueue_dma source(%dma_start3A_562 : memref<200x128xi32, #tpu.memory_space<hbm>>) target(%arg5 : memref<200x128xi32, #tpu.memory_space<vmem>>) target_semaphore(%run_scoped3A : memref<!tpu.dma_semaphore, #tpu.memory_space<semaphore_mem>>)
      %dma_wait3A_563 = arith.constant 0 : i32
      %dma_wait3A_564 = tpu.memref_slice %arg2[%mul3A_2, %dma_wait3A_563] : memref<6400x128xi32, #tpu.memory_space<hbm>> -> memref<200x128xi32, #tpu.memory_space<hbm>>
      %dma_wait3A_565 = arith.constant 0 : i32
      %dma_wait3A_566 = tpu.memref_slice %arg2[%mul3A_2, %dma_wait3A_565] : memref<6400x128xi32, #tpu.memory_space<hbm>> -> memref<200x128xi32, #tpu.memory_space<hbm>>
      tpu.wait_dma2 semaphore(%run_scoped3A : memref<!tpu.dma_semaphore, #tpu.memory_space<semaphore_mem>>) src(%dma_wait3A_566 : memref<200x128xi32, #tpu.memory_space<hbm>>) dst(%arg5 : memref<200x128xi32, #tpu.memory_space<vmem>>)
      tpu.yield
    }) : () -> ()
    %dma_start3A = arith.constant 0 : i32
    %dma_start3A_5 = arith.constant 0 : i32
    %dma_start3A_6 = arith.constant 0 : i32
    %dma_start3A_7 = arith.constant 0 : i32
    %dma_start3A_8 = arith.constant 0 : i32
    %dma_start3A_9 = tpu.memref_slice %arg6[%dma_start3A_5, %dma_start3A_7, %dma_start3A_8] : memref<8x128x64xf32, #tpu.memory_space<vmem>> -> memref<1x128x64xf32, #tpu.memory_space<vmem>>
    %dma_start3A_10 = tpu.memref_squeeze %dma_start3A_9 : memref<1x128x64xf32, #tpu.memory_space<vmem>> -> memref<128x64xf32, #tpu.memory_space<vmem>>
    %dma_start3A_11 = arith.constant 0 : i32
    %dma_start3A_12 = tpu.memref_slice %arg5[%dma_start3A, %dma_start3A_11] : memref<200x128xi32, #tpu.memory_space<vmem>> -> memref<1x128xi32, #tpu.memory_space<vmem>>
    %dma_start3A_13 = tpu.memref_squeeze %dma_start3A_12 : memref<1x128xi32, #tpu.memory_space<vmem>> -> memref<128xi32, #tpu.memory_space<vmem>>
    %dma_start3A_14 = arith.constant 0 : i32
    %dma_start3A_15 = arith.constant 0 : i32
    %dma_start3A_16 = tpu.memref_slice %arg3[%dma_start3A_14, %dma_start3A_15] : memref<1000000x64xf32, #tpu.memory_space<hbm>> -> memref<1000000x64xf32, #tpu.memory_space<hbm>>
    %dma_start3A_17 = tpu.memref_slice %arg7[%dma_start3A_6] : memref<8x!tpu.dma_semaphore, #tpu.memory_space<semaphore_mem>> -> memref<1x!tpu.dma_semaphore, #tpu.memory_space<semaphore_mem>>
    %dma_start3A_18 = tpu.memref_squeeze %dma_start3A_17 : memref<1x!tpu.dma_semaphore, #tpu.memory_space<semaphore_mem>> -> memref<!tpu.dma_semaphore, #tpu.memory_space<semaphore_mem>>
    tpu.enqueue_indirect_dma source(%dma_start3A_16 : memref<1000000x64xf32, #tpu.memory_space<hbm>>) target(%dma_start3A_10 : memref<128x64xf32, #tpu.memory_space<vmem>>) offsets(%dma_start3A_13 : memref<128xi32, #tpu.memory_space<vmem>>) semaphore(%dma_start3A_18 : memref<!tpu.dma_semaphore, #tpu.memory_space<semaphore_mem>>)
    %dma_start3A_19 = arith.constant 1 : i32
    %dma_start3A_20 = arith.constant 1 : i32
    %dma_start3A_21 = arith.constant 1 : i32
    %dma_start3A_22 = arith.constant 0 : i32
    %dma_start3A_23 = arith.constant 0 : i32
    %dma_start3A_24 = tpu.memref_slice %arg6[%dma_start3A_20, %dma_start3A_22, %dma_start3A_23] : memref<8x128x64xf32, #tpu.memory_space<vmem>> -> memref<1x128x64xf32, #tpu.memory_space<vmem>>
    %dma_start3A_25 = tpu.memref_squeeze %dma_start3A_24 : memref<1x128x64xf32, #tpu.memory_space<vmem>> -> memref<128x64xf32, #tpu.memory_space<vmem>>
    %dma_start3A_26 = arith.constant 0 : i32
    %dma_start3A_27 = tpu.memref_slice %arg5[%dma_start3A_19, %dma_start3A_26] : memref<200x128xi32, #tpu.memory_space<vmem>> -> memref<1x128xi32, #tpu.memory_space<vmem>>
    %dma_start3A_28 = tpu.memref_squeeze %dma_start3A_27 : memref<1x128xi32, #tpu.memory_space<vmem>> -> memref<128xi32, #tpu.memory_space<vmem>>
    %dma_start3A_29 = arith.constant 0 : i32
    %dma_start3A_30 = arith.constant 0 : i32
    %dma_start3A_31 = tpu.memref_slice %arg3[%dma_start3A_29, %dma_start3A_30] : memref<1000000x64xf32, #tpu.memory_space<hbm>> -> memref<1000000x64xf32, #tpu.memory_space<hbm>>
    %dma_start3A_32 = tpu.memref_slice %arg7[%dma_start3A_21] : memref<8x!tpu.dma_semaphore, #tpu.memory_space<semaphore_mem>> -> memref<1x!tpu.dma_semaphore, #tpu.memory_space<semaphore_mem>>
    %dma_start3A_33 = tpu.memref_squeeze %dma_start3A_32 : memref<1x!tpu.dma_semaphore, #tpu.memory_space<semaphore_mem>> -> memref<!tpu.dma_semaphore, #tpu.memory_space<semaphore_mem>>
    tpu.enqueue_indirect_dma source(%dma_start3A_31 : memref<1000000x64xf32, #tpu.memory_space<hbm>>) target(%dma_start3A_25 : memref<128x64xf32, #tpu.memory_space<vmem>>) offsets(%dma_start3A_28 : memref<128xi32, #tpu.memory_space<vmem>>) semaphore(%dma_start3A_33 : memref<!tpu.dma_semaphore, #tpu.memory_space<semaphore_mem>>)
    %dma_start3A_34 = arith.constant 2 : i32
    %dma_start3A_35 = arith.constant 2 : i32
    %dma_start3A_36 = arith.constant 2 : i32
    %dma_start3A_37 = arith.constant 0 : i32
    %dma_start3A_38 = arith.constant 0 : i32
    %dma_start3A_39 = tpu.memref_slice %arg6[%dma_start3A_35, %dma_start3A_37, %dma_start3A_38] : memref<8x128x64xf32, #tpu.memory_space<vmem>> -> memref<1x128x64xf32, #tpu.memory_space<vmem>>
    %dma_start3A_40 = tpu.memref_squeeze %dma_start3A_39 : memref<1x128x64xf32, #tpu.memory_space<vmem>> -> memref<128x64xf32, #tpu.memory_space<vmem>>
    %dma_start3A_41 = arith.constant 0 : i32
    %dma_start3A_42 = tpu.memref_slice %arg5[%dma_start3A_34, %dma_start3A_41] : memref<200x128xi32, #tpu.memory_space<vmem>> -> memref<1x128xi32, #tpu.memory_space<vmem>>
    %dma_start3A_43 = tpu.memref_squeeze %dma_start3A_42 : memref<1x128xi32, #tpu.memory_space<vmem>> -> memref<128xi32, #tpu.memory_space<vmem>>
    %dma_start3A_44 = arith.constant 0 : i32
    %dma_start3A_45 = arith.constant 0 : i32
    %dma_start3A_46 = tpu.memref_slice %arg3[%dma_start3A_44, %dma_start3A_45] : memref<1000000x64xf32, #tpu.memory_space<hbm>> -> memref<1000000x64xf32, #tpu.memory_space<hbm>>
    %dma_start3A_47 = tpu.memref_slice %arg7[%dma_start3A_36] : memref<8x!tpu.dma_semaphore, #tpu.memory_space<semaphore_mem>> -> memref<1x!tpu.dma_semaphore, #tpu.memory_space<semaphore_mem>>
    %dma_start3A_48 = tpu.memref_squeeze %dma_start3A_47 : memref<1x!tpu.dma_semaphore, #tpu.memory_space<semaphore_mem>> -> memref<!tpu.dma_semaphore, #tpu.memory_space<semaphore_mem>>
    tpu.enqueue_indirect_dma source(%dma_start3A_46 : memref<1000000x64xf32, #tpu.memory_space<hbm>>) target(%dma_start3A_40 : memref<128x64xf32, #tpu.memory_space<vmem>>) offsets(%dma_start3A_43 : memref<128xi32, #tpu.memory_space<vmem>>) semaphore(%dma_start3A_48 : memref<!tpu.dma_semaphore, #tpu.memory_space<semaphore_mem>>)
    %dma_start3A_49 = arith.constant 3 : i32
    %dma_start3A_50 = arith.constant 3 : i32
    %dma_start3A_51 = arith.constant 3 : i32
    %dma_start3A_52 = arith.constant 0 : i32
    %dma_start3A_53 = arith.constant 0 : i32
    %dma_start3A_54 = tpu.memref_slice %arg6[%dma_start3A_50, %dma_start3A_52, %dma_start3A_53] : memref<8x128x64xf32, #tpu.memory_space<vmem>> -> memref<1x128x64xf32, #tpu.memory_space<vmem>>
    %dma_start3A_55 = tpu.memref_squeeze %dma_start3A_54 : memref<1x128x64xf32, #tpu.memory_space<vmem>> -> memref<128x64xf32, #tpu.memory_space<vmem>>
    %dma_start3A_56 = arith.constant 0 : i32
    %dma_start3A_57 = tpu.memref_slice %arg5[%dma_start3A_49, %dma_start3A_56] : memref<200x128xi32, #tpu.memory_space<vmem>> -> memref<1x128xi32, #tpu.memory_space<vmem>>
    %dma_start3A_58 = tpu.memref_squeeze %dma_start3A_57 : memref<1x128xi32, #tpu.memory_space<vmem>> -> memref<128xi32, #tpu.memory_space<vmem>>
    %dma_start3A_59 = arith.constant 0 : i32
    %dma_start3A_60 = arith.constant 0 : i32
    %dma_start3A_61 = tpu.memref_slice %arg3[%dma_start3A_59, %dma_start3A_60] : memref<1000000x64xf32, #tpu.memory_space<hbm>> -> memref<1000000x64xf32, #tpu.memory_space<hbm>>
    %dma_start3A_62 = tpu.memref_slice %arg7[%dma_start3A_51] : memref<8x!tpu.dma_semaphore, #tpu.memory_space<semaphore_mem>> -> memref<1x!tpu.dma_semaphore, #tpu.memory_space<semaphore_mem>>
    %dma_start3A_63 = tpu.memref_squeeze %dma_start3A_62 : memref<1x!tpu.dma_semaphore, #tpu.memory_space<semaphore_mem>> -> memref<!tpu.dma_semaphore, #tpu.memory_space<semaphore_mem>>
    tpu.enqueue_indirect_dma source(%dma_start3A_61 : memref<1000000x64xf32, #tpu.memory_space<hbm>>) target(%dma_start3A_55 : memref<128x64xf32, #tpu.memory_space<vmem>>) offsets(%dma_start3A_58 : memref<128xi32, #tpu.memory_space<vmem>>) semaphore(%dma_start3A_63 : memref<!tpu.dma_semaphore, #tpu.memory_space<semaphore_mem>>)
    %dma_start3A_64 = arith.constant 4 : i32
    %dma_start3A_65 = arith.constant 4 : i32
    %dma_start3A_66 = arith.constant 4 : i32
    %dma_start3A_67 = arith.constant 0 : i32
    %dma_start3A_68 = arith.constant 0 : i32
    %dma_start3A_69 = tpu.memref_slice %arg6[%dma_start3A_65, %dma_start3A_67, %dma_start3A_68] : memref<8x128x64xf32, #tpu.memory_space<vmem>> -> memref<1x128x64xf32, #tpu.memory_space<vmem>>
    %dma_start3A_70 = tpu.memref_squeeze %dma_start3A_69 : memref<1x128x64xf32, #tpu.memory_space<vmem>> -> memref<128x64xf32, #tpu.memory_space<vmem>>
    %dma_start3A_71 = arith.constant 0 : i32
    %dma_start3A_72 = tpu.memref_slice %arg5[%dma_start3A_64, %dma_start3A_71] : memref<200x128xi32, #tpu.memory_space<vmem>> -> memref<1x128xi32, #tpu.memory_space<vmem>>
    %dma_start3A_73 = tpu.memref_squeeze %dma_start3A_72 : memref<1x128xi32, #tpu.memory_space<vmem>> -> memref<128xi32, #tpu.memory_space<vmem>>
    %dma_start3A_74 = arith.constant 0 : i32
    %dma_start3A_75 = arith.constant 0 : i32
    %dma_start3A_76 = tpu.memref_slice %arg3[%dma_start3A_74, %dma_start3A_75] : memref<1000000x64xf32, #tpu.memory_space<hbm>> -> memref<1000000x64xf32, #tpu.memory_space<hbm>>
    %dma_start3A_77 = tpu.memref_slice %arg7[%dma_start3A_66] : memref<8x!tpu.dma_semaphore, #tpu.memory_space<semaphore_mem>> -> memref<1x!tpu.dma_semaphore, #tpu.memory_space<semaphore_mem>>
    %dma_start3A_78 = tpu.memref_squeeze %dma_start3A_77 : memref<1x!tpu.dma_semaphore, #tpu.memory_space<semaphore_mem>> -> memref<!tpu.dma_semaphore, #tpu.memory_space<semaphore_mem>>
    tpu.enqueue_indirect_dma source(%dma_start3A_76 : memref<1000000x64xf32, #tpu.memory_space<hbm>>) target(%dma_start3A_70 : memref<128x64xf32, #tpu.memory_space<vmem>>) offsets(%dma_start3A_73 : memref<128xi32, #tpu.memory_space<vmem>>) semaphore(%dma_start3A_78 : memref<!tpu.dma_semaphore, #tpu.memory_space<semaphore_mem>>)
    %dma_start3A_79 = arith.constant 5 : i32
    %dma_start3A_80 = arith.constant 5 : i32
    %dma_start3A_81 = arith.constant 5 : i32
    %dma_start3A_82 = arith.constant 0 : i32
    %dma_start3A_83 = arith.constant 0 : i32
    %dma_start3A_84 = tpu.memref_slice %arg6[%dma_start3A_80, %dma_start3A_82, %dma_start3A_83] : memref<8x128x64xf32, #tpu.memory_space<vmem>> -> memref<1x128x64xf32, #tpu.memory_space<vmem>>
    %dma_start3A_85 = tpu.memref_squeeze %dma_start3A_84 : memref<1x128x64xf32, #tpu.memory_space<vmem>> -> memref<128x64xf32, #tpu.memory_space<vmem>>
    %dma_start3A_86 = arith.constant 0 : i32
    %dma_start3A_87 = tpu.memref_slice %arg5[%dma_start3A_79, %dma_start3A_86] : memref<200x128xi32, #tpu.memory_space<vmem>> -> memref<1x128xi32, #tpu.memory_space<vmem>>
    %dma_start3A_88 = tpu.memref_squeeze %dma_start3A_87 : memref<1x128xi32, #tpu.memory_space<vmem>> -> memref<128xi32, #tpu.memory_space<vmem>>
    %dma_start3A_89 = arith.constant 0 : i32
    %dma_start3A_90 = arith.constant 0 : i32
    %dma_start3A_91 = tpu.memref_slice %arg3[%dma_start3A_89, %dma_start3A_90] : memref<1000000x64xf32, #tpu.memory_space<hbm>> -> memref<1000000x64xf32, #tpu.memory_space<hbm>>
    %dma_start3A_92 = tpu.memref_slice %arg7[%dma_start3A_81] : memref<8x!tpu.dma_semaphore, #tpu.memory_space<semaphore_mem>> -> memref<1x!tpu.dma_semaphore, #tpu.memory_space<semaphore_mem>>
    %dma_start3A_93 = tpu.memref_squeeze %dma_start3A_92 : memref<1x!tpu.dma_semaphore, #tpu.memory_space<semaphore_mem>> -> memref<!tpu.dma_semaphore, #tpu.memory_space<semaphore_mem>>
    tpu.enqueue_indirect_dma source(%dma_start3A_91 : memref<1000000x64xf32, #tpu.memory_space<hbm>>) target(%dma_start3A_85 : memref<128x64xf32, #tpu.memory_space<vmem>>) offsets(%dma_start3A_88 : memref<128xi32, #tpu.memory_space<vmem>>) semaphore(%dma_start3A_93 : memref<!tpu.dma_semaphore, #tpu.memory_space<semaphore_mem>>)
    %dma_start3A_94 = arith.constant 6 : i32
    %dma_start3A_95 = arith.constant 6 : i32
    %dma_start3A_96 = arith.constant 6 : i32
    %dma_start3A_97 = arith.constant 0 : i32
    %dma_start3A_98 = arith.constant 0 : i32
    %dma_start3A_99 = tpu.memref_slice %arg6[%dma_start3A_95, %dma_start3A_97, %dma_start3A_98] : memref<8x128x64xf32, #tpu.memory_space<vmem>> -> memref<1x128x64xf32, #tpu.memory_space<vmem>>
    %dma_start3A_100 = tpu.memref_squeeze %dma_start3A_99 : memref<1x128x64xf32, #tpu.memory_space<vmem>> -> memref<128x64xf32, #tpu.memory_space<vmem>>
    %dma_start3A_101 = arith.constant 0 : i32
    %dma_start3A_102 = tpu.memref_slice %arg5[%dma_start3A_94, %dma_start3A_101] : memref<200x128xi32, #tpu.memory_space<vmem>> -> memref<1x128xi32, #tpu.memory_space<vmem>>
    %dma_start3A_103 = tpu.memref_squeeze %dma_start3A_102 : memref<1x128xi32, #tpu.memory_space<vmem>> -> memref<128xi32, #tpu.memory_space<vmem>>
    %dma_start3A_104 = arith.constant 0 : i32
    %dma_start3A_105 = arith.constant 0 : i32
    %dma_start3A_106 = tpu.memref_slice %arg3[%dma_start3A_104, %dma_start3A_105] : memref<1000000x64xf32, #tpu.memory_space<hbm>> -> memref<1000000x64xf32, #tpu.memory_space<hbm>>
    %dma_start3A_107 = tpu.memref_slice %arg7[%dma_start3A_96] : memref<8x!tpu.dma_semaphore, #tpu.memory_space<semaphore_mem>> -> memref<1x!tpu.dma_semaphore, #tpu.memory_space<semaphore_mem>>
    %dma_start3A_108 = tpu.memref_squeeze %dma_start3A_107 : memref<1x!tpu.dma_semaphore, #tpu.memory_space<semaphore_mem>> -> memref<!tpu.dma_semaphore, #tpu.memory_space<semaphore_mem>>
    tpu.enqueue_indirect_dma source(%dma_start3A_106 : memref<1000000x64xf32, #tpu.memory_space<hbm>>) target(%dma_start3A_100 : memref<128x64xf32, #tpu.memory_space<vmem>>) offsets(%dma_start3A_103 : memref<128xi32, #tpu.memory_space<vmem>>) semaphore(%dma_start3A_108 : memref<!tpu.dma_semaphore, #tpu.memory_space<semaphore_mem>>)
    %dma_start3A_109 = arith.constant 7 : i32
    %dma_start3A_110 = arith.constant 7 : i32
    %dma_start3A_111 = arith.constant 7 : i32
    %dma_start3A_112 = arith.constant 0 : i32
    %dma_start3A_113 = arith.constant 0 : i32
    %dma_start3A_114 = tpu.memref_slice %arg6[%dma_start3A_110, %dma_start3A_112, %dma_start3A_113] : memref<8x128x64xf32, #tpu.memory_space<vmem>> -> memref<1x128x64xf32, #tpu.memory_space<vmem>>
    %dma_start3A_115 = tpu.memref_squeeze %dma_start3A_114 : memref<1x128x64xf32, #tpu.memory_space<vmem>> -> memref<128x64xf32, #tpu.memory_space<vmem>>
    %dma_start3A_116 = arith.constant 0 : i32
    %dma_start3A_117 = tpu.memref_slice %arg5[%dma_start3A_109, %dma_start3A_116] : memref<200x128xi32, #tpu.memory_space<vmem>> -> memref<1x128xi32, #tpu.memory_space<vmem>>
    %dma_start3A_118 = tpu.memref_squeeze %dma_start3A_117 : memref<1x128xi32, #tpu.memory_space<vmem>> -> memref<128xi32, #tpu.memory_space<vmem>>
    %dma_start3A_119 = arith.constant 0 : i32
    %dma_start3A_120 = arith.constant 0 : i32
    %dma_start3A_121 = tpu.memref_slice %arg3[%dma_start3A_119, %dma_start3A_120] : memref<1000000x64xf32, #tpu.memory_space<hbm>> -> memref<1000000x64xf32, #tpu.memory_space<hbm>>
    %dma_start3A_122 = tpu.memref_slice %arg7[%dma_start3A_111] : memref<8x!tpu.dma_semaphore, #tpu.memory_space<semaphore_mem>> -> memref<1x!tpu.dma_semaphore, #tpu.memory_space<semaphore_mem>>
    %dma_start3A_123 = tpu.memref_squeeze %dma_start3A_122 : memref<1x!tpu.dma_semaphore, #tpu.memory_space<semaphore_mem>> -> memref<!tpu.dma_semaphore, #tpu.memory_space<semaphore_mem>>
    tpu.enqueue_indirect_dma source(%dma_start3A_121 : memref<1000000x64xf32, #tpu.memory_space<hbm>>) target(%dma_start3A_115 : memref<128x64xf32, #tpu.memory_space<vmem>>) offsets(%dma_start3A_118 : memref<128xi32, #tpu.memory_space<vmem>>) semaphore(%dma_start3A_123 : memref<!tpu.dma_semaphore, #tpu.memory_space<semaphore_mem>>)
    %scan3A = arith.constant 0 : i32
    %scan3A_124 = arith.constant 24 : i32
    %scan3A_125 = arith.addi %scan3A, %scan3A_124 : i32
    %scan3A_126 = arith.constant 1 : i32
    scf.for %scan3A_559 = %scan3A to %scan3A_125 step %scan3A_126  : i32 {
      %mul3A_560 = arith.constant 1 : i32
      %mul3A_561 = arith.muli %scan3A_559, %mul3A_560 : i32
      %add3A_562 = arith.constant 0 : i32
      %add3A_563 = arith.addi %add3A_562, %mul3A_561 : i32
      %mul3A_564 = arith.constant 8 : i32
      %mul3A_565 = arith.muli %add3A_563, %mul3A_564 : i32
      %dma_wait3A_566 = arith.constant 0 : i32
      %dma_wait3A_567 = arith.constant 0 : i32
      %dma_wait3A_568 = arith.constant 0 : i32
      %dma_wait3A_569 = arith.constant 0 : i32
      %dma_wait3A_570 = tpu.memref_slice %arg6[%dma_wait3A_566, %dma_wait3A_568, %dma_wait3A_569] : memref<8x128x64xf32, #tpu.memory_space<vmem>> -> memref<1x128x64xf32, #tpu.memory_space<vmem>>
      %dma_wait3A_571 = tpu.memref_squeeze %dma_wait3A_570 : memref<1x128x64xf32, #tpu.memory_space<vmem>> -> memref<128x64xf32, #tpu.memory_space<vmem>>
      %dma_wait3A_572 = arith.constant 0 : i32
      %dma_wait3A_573 = arith.constant 0 : i32
      %dma_wait3A_574 = tpu.memref_slice %arg3[%dma_wait3A_572, %dma_wait3A_573] : memref<1000000x64xf32, #tpu.memory_space<hbm>> -> memref<128x64xf32, #tpu.memory_space<hbm>>
      %dma_wait3A_575 = tpu.memref_slice %arg7[%dma_wait3A_567] : memref<8x!tpu.dma_semaphore, #tpu.memory_space<semaphore_mem>> -> memref<1x!tpu.dma_semaphore, #tpu.memory_space<semaphore_mem>>
      %dma_wait3A_576 = tpu.memref_squeeze %dma_wait3A_575 : memref<1x!tpu.dma_semaphore, #tpu.memory_space<semaphore_mem>> -> memref<!tpu.dma_semaphore, #tpu.memory_space<semaphore_mem>>
      %dma_wait3A_577 = arith.constant 0 : i32
      %dma_wait3A_578 = arith.constant 0 : i32
      %dma_wait3A_579 = tpu.memref_slice %arg6[%dma_wait3A_566, %dma_wait3A_577, %dma_wait3A_578] : memref<8x128x64xf32, #tpu.memory_space<vmem>> -> memref<1x128x64xf32, #tpu.memory_space<vmem>>
      %dma_wait3A_580 = tpu.memref_squeeze %dma_wait3A_579 : memref<1x128x64xf32, #tpu.memory_space<vmem>> -> memref<128x64xf32, #tpu.memory_space<vmem>>
      %dma_wait3A_581 = arith.constant 0 : i32
      %dma_wait3A_582 = arith.constant 0 : i32
      %dma_wait3A_583 = tpu.memref_slice %arg3[%dma_wait3A_581, %dma_wait3A_582] : memref<1000000x64xf32, #tpu.memory_space<hbm>> -> memref<128x64xf32, #tpu.memory_space<hbm>>
      tpu.wait_dma2 semaphore(%dma_wait3A_576 : memref<!tpu.dma_semaphore, #tpu.memory_space<semaphore_mem>>) src(%dma_wait3A_583 : memref<128x64xf32, #tpu.memory_space<hbm>>) dst(%dma_wait3A_580 : memref<128x64xf32, #tpu.memory_space<vmem>>)
      %add3A_584 = arith.constant 0 : i32
      %add3A_585 = arith.addi %mul3A_565, %add3A_584 : i32
      %mul3A_586 = arith.constant 128 : i32
      %mul3A_587 = arith.muli %add3A_585, %mul3A_586 : i32
      %add3A_588 = arith.addi %mul3A_4, %mul3A_587 : i32
      %dma_start3A_589 = arith.constant 0 : i32
      %dma_start3A_590 = arith.constant 0 : i32
      %dma_start3A_591 = arith.constant 0 : i32
      %dma_start3A_592 = arith.constant 0 : i32
      %dma_start3A_593 = tpu.memref_slice %arg6[%dma_start3A_589, %dma_start3A_591, %dma_start3A_592] : memref<8x128x64xf32, #tpu.memory_space<vmem>> -> memref<1x128x64xf32, #tpu.memory_space<vmem>>
      %dma_start3A_594 = tpu.memref_squeeze %dma_start3A_593 : memref<1x128x64xf32, #tpu.memory_space<vmem>> -> memref<128x64xf32, #tpu.memory_space<vmem>>
      %dma_start3A_595 = arith.constant 0 : i32
      %dma_start3A_596 = tpu.memref_slice %arg4[%add3A_588, %dma_start3A_595] : memref<819200x64xf32, #tpu.memory_space<hbm>> -> memref<128x64xf32, #tpu.memory_space<hbm>>
      %dma_start3A_597 = tpu.memref_slice %arg8[%dma_start3A_590] : memref<8x!tpu.dma_semaphore, #tpu.memory_space<semaphore_mem>> -> memref<1x!tpu.dma_semaphore, #tpu.memory_space<semaphore_mem>>
      %dma_start3A_598 = tpu.memref_squeeze %dma_start3A_597 : memref<1x!tpu.dma_semaphore, #tpu.memory_space<semaphore_mem>> -> memref<!tpu.dma_semaphore, #tpu.memory_space<semaphore_mem>>
      %dma_start3A_599 = arith.constant 0 : i32
      %dma_start3A_600 = tpu.memref_slice %arg4[%add3A_588, %dma_start3A_599] : memref<819200x64xf32, #tpu.memory_space<hbm>> -> memref<128x64xf32, #tpu.memory_space<hbm>>
      %dma_start3A_601 = arith.constant 0 : i32
      %dma_start3A_602 = arith.constant 0 : i32
      %dma_start3A_603 = tpu.memref_slice %arg6[%dma_start3A_589, %dma_start3A_601, %dma_start3A_602] : memref<8x128x64xf32, #tpu.memory_space<vmem>> -> memref<1x128x64xf32, #tpu.memory_space<vmem>>
      %dma_start3A_604 = tpu.memref_squeeze %dma_start3A_603 : memref<1x128x64xf32, #tpu.memory_space<vmem>> -> memref<128x64xf32, #tpu.memory_space<vmem>>
      tpu.enqueue_dma source(%dma_start3A_604 : memref<128x64xf32, #tpu.memory_space<vmem>>) target(%dma_start3A_600 : memref<128x64xf32, #tpu.memory_space<hbm>>) target_semaphore(%dma_start3A_598 : memref<!tpu.dma_semaphore, #tpu.memory_space<semaphore_mem>>)
      %dma_wait3A_605 = arith.constant 1 : i32
      %dma_wait3A_606 = arith.constant 1 : i32
      %dma_wait3A_607 = arith.constant 0 : i32
      %dma_wait3A_608 = arith.constant 0 : i32
      %dma_wait3A_609 = tpu.memref_slice %arg6[%dma_wait3A_605, %dma_wait3A_607, %dma_wait3A_608] : memref<8x128x64xf32, #tpu.memory_space<vmem>> -> memref<1x128x64xf32, #tpu.memory_space<vmem>>
      %dma_wait3A_610 = tpu.memref_squeeze %dma_wait3A_609 : memref<1x128x64xf32, #tpu.memory_space<vmem>> -> memref<128x64xf32, #tpu.memory_space<vmem>>
      %dma_wait3A_611 = arith.constant 0 : i32
      %dma_wait3A_612 = arith.constant 0 : i32
      %dma_wait3A_613 = tpu.memref_slice %arg3[%dma_wait3A_611, %dma_wait3A_612] : memref<1000000x64xf32, #tpu.memory_space<hbm>> -> memref<128x64xf32, #tpu.memory_space<hbm>>
      %dma_wait3A_614 = tpu.memref_slice %arg7[%dma_wait3A_606] : memref<8x!tpu.dma_semaphore, #tpu.memory_space<semaphore_mem>> -> memref<1x!tpu.dma_semaphore, #tpu.memory_space<semaphore_mem>>
      %dma_wait3A_615 = tpu.memref_squeeze %dma_wait3A_614 : memref<1x!tpu.dma_semaphore, #tpu.memory_space<semaphore_mem>> -> memref<!tpu.dma_semaphore, #tpu.memory_space<semaphore_mem>>
      %dma_wait3A_616 = arith.constant 0 : i32
      %dma_wait3A_617 = arith.constant 0 : i32
      %dma_wait3A_618 = tpu.memref_slice %arg6[%dma_wait3A_605, %dma_wait3A_616, %dma_wait3A_617] : memref<8x128x64xf32, #tpu.memory_space<vmem>> -> memref<1x128x64xf32, #tpu.memory_space<vmem>>
      %dma_wait3A_619 = tpu.memref_squeeze %dma_wait3A_618 : memref<1x128x64xf32, #tpu.memory_space<vmem>> -> memref<128x64xf32, #tpu.memory_space<vmem>>
      %dma_wait3A_620 = arith.constant 0 : i32
      %dma_wait3A_621 = arith.constant 0 : i32
      %dma_wait3A_622 = tpu.memref_slice %arg3[%dma_wait3A_620, %dma_wait3A_621] : memref<1000000x64xf32, #tpu.memory_space<hbm>> -> memref<128x64xf32, #tpu.memory_space<hbm>>
      tpu.wait_dma2 semaphore(%dma_wait3A_615 : memref<!tpu.dma_semaphore, #tpu.memory_space<semaphore_mem>>) src(%dma_wait3A_622 : memref<128x64xf32, #tpu.memory_space<hbm>>) dst(%dma_wait3A_619 : memref<128x64xf32, #tpu.memory_space<vmem>>)
      %add3A_623 = arith.constant 1 : i32
      %add3A_624 = arith.addi %mul3A_565, %add3A_623 : i32
      %mul3A_625 = arith.constant 128 : i32
      %mul3A_626 = arith.muli %add3A_624, %mul3A_625 : i32
      %add3A_627 = arith.addi %mul3A_4, %mul3A_626 : i32
      %dma_start3A_628 = arith.constant 1 : i32
      %dma_start3A_629 = arith.constant 1 : i32
      %dma_start3A_630 = arith.constant 0 : i32
      %dma_start3A_631 = arith.constant 0 : i32
      %dma_start3A_632 = tpu.memref_slice %arg6[%dma_start3A_628, %dma_start3A_630, %dma_start3A_631] : memref<8x128x64xf32, #tpu.memory_space<vmem>> -> memref<1x128x64xf32, #tpu.memory_space<vmem>>
      %dma_start3A_633 = tpu.memref_squeeze %dma_start3A_632 : memref<1x128x64xf32, #tpu.memory_space<vmem>> -> memref<128x64xf32, #tpu.memory_space<vmem>>
      %dma_start3A_634 = arith.constant 0 : i32
      %dma_start3A_635 = tpu.memref_slice %arg4[%add3A_627, %dma_start3A_634] : memref<819200x64xf32, #tpu.memory_space<hbm>> -> memref<128x64xf32, #tpu.memory_space<hbm>>
      %dma_start3A_636 = tpu.memref_slice %arg8[%dma_start3A_629] : memref<8x!tpu.dma_semaphore, #tpu.memory_space<semaphore_mem>> -> memref<1x!tpu.dma_semaphore, #tpu.memory_space<semaphore_mem>>
      %dma_start3A_637 = tpu.memref_squeeze %dma_start3A_636 : memref<1x!tpu.dma_semaphore, #tpu.memory_space<semaphore_mem>> -> memref<!tpu.dma_semaphore, #tpu.memory_space<semaphore_mem>>
      %dma_start3A_638 = arith.constant 0 : i32
      %dma_start3A_639 = tpu.memref_slice %arg4[%add3A_627, %dma_start3A_638] : memref<819200x64xf32, #tpu.memory_space<hbm>> -> memref<128x64xf32, #tpu.memory_space<hbm>>
      %dma_start3A_640 = arith.constant 0 : i32
      %dma_start3A_641 = arith.constant 0 : i32
      %dma_start3A_642 = tpu.memref_slice %arg6[%dma_start3A_628, %dma_start3A_640, %dma_start3A_641] : memref<8x128x64xf32, #tpu.memory_space<vmem>> -> memref<1x128x64xf32, #tpu.memory_space<vmem>>
      %dma_start3A_643 = tpu.memref_squeeze %dma_start3A_642 : memref<1x128x64xf32, #tpu.memory_space<vmem>> -> memref<128x64xf32, #tpu.memory_space<vmem>>
      tpu.enqueue_dma source(%dma_start3A_643 : memref<128x64xf32, #tpu.memory_space<vmem>>) target(%dma_start3A_639 : memref<128x64xf32, #tpu.memory_space<hbm>>) target_semaphore(%dma_start3A_637 : memref<!tpu.dma_semaphore, #tpu.memory_space<semaphore_mem>>)
      %dma_wait3A_644 = arith.constant 2 : i32
      %dma_wait3A_645 = arith.constant 2 : i32
      %dma_wait3A_646 = arith.constant 0 : i32
      %dma_wait3A_647 = arith.constant 0 : i32
      %dma_wait3A_648 = tpu.memref_slice %arg6[%dma_wait3A_644, %dma_wait3A_646, %dma_wait3A_647] : memref<8x128x64xf32, #tpu.memory_space<vmem>> -> memref<1x128x64xf32, #tpu.memory_space<vmem>>
      %dma_wait3A_649 = tpu.memref_squeeze %dma_wait3A_648 : memref<1x128x64xf32, #tpu.memory_space<vmem>> -> memref<128x64xf32, #tpu.memory_space<vmem>>
      %dma_wait3A_650 = arith.constant 0 : i32
      %dma_wait3A_651 = arith.constant 0 : i32
      %dma_wait3A_652 = tpu.memref_slice %arg3[%dma_wait3A_650, %dma_wait3A_651] : memref<1000000x64xf32, #tpu.memory_space<hbm>> -> memref<128x64xf32, #tpu.memory_space<hbm>>
      %dma_wait3A_653 = tpu.memref_slice %arg7[%dma_wait3A_645] : memref<8x!tpu.dma_semaphore, #tpu.memory_space<semaphore_mem>> -> memref<1x!tpu.dma_semaphore, #tpu.memory_space<semaphore_mem>>
      %dma_wait3A_654 = tpu.memref_squeeze %dma_wait3A_653 : memref<1x!tpu.dma_semaphore, #tpu.memory_space<semaphore_mem>> -> memref<!tpu.dma_semaphore, #tpu.memory_space<semaphore_mem>>
      %dma_wait3A_655 = arith.constant 0 : i32
      %dma_wait3A_656 = arith.constant 0 : i32
      %dma_wait3A_657 = tpu.memref_slice %arg6[%dma_wait3A_644, %dma_wait3A_655, %dma_wait3A_656] : memref<8x128x64xf32, #tpu.memory_space<vmem>> -> memref<1x128x64xf32, #tpu.memory_space<vmem>>
      %dma_wait3A_658 = tpu.memref_squeeze %dma_wait3A_657 : memref<1x128x64xf32, #tpu.memory_space<vmem>> -> memref<128x64xf32, #tpu.memory_space<vmem>>
      %dma_wait3A_659 = arith.constant 0 : i32
      %dma_wait3A_660 = arith.constant 0 : i32
      %dma_wait3A_661 = tpu.memref_slice %arg3[%dma_wait3A_659, %dma_wait3A_660] : memref<1000000x64xf32, #tpu.memory_space<hbm>> -> memref<128x64xf32, #tpu.memory_space<hbm>>
      tpu.wait_dma2 semaphore(%dma_wait3A_654 : memref<!tpu.dma_semaphore, #tpu.memory_space<semaphore_mem>>) src(%dma_wait3A_661 : memref<128x64xf32, #tpu.memory_space<hbm>>) dst(%dma_wait3A_658 : memref<128x64xf32, #tpu.memory_space<vmem>>)
      %add3A_662 = arith.constant 2 : i32
      %add3A_663 = arith.addi %mul3A_565, %add3A_662 : i32
      %mul3A_664 = arith.constant 128 : i32
      %mul3A_665 = arith.muli %add3A_663, %mul3A_664 : i32
      %add3A_666 = arith.addi %mul3A_4, %mul3A_665 : i32
      %dma_start3A_667 = arith.constant 2 : i32
      %dma_start3A_668 = arith.constant 2 : i32
      %dma_start3A_669 = arith.constant 0 : i32
      %dma_start3A_670 = arith.constant 0 : i32
      %dma_start3A_671 = tpu.memref_slice %arg6[%dma_start3A_667, %dma_start3A_669, %dma_start3A_670] : memref<8x128x64xf32, #tpu.memory_space<vmem>> -> memref<1x128x64xf32, #tpu.memory_space<vmem>>
      %dma_start3A_672 = tpu.memref_squeeze %dma_start3A_671 : memref<1x128x64xf32, #tpu.memory_space<vmem>> -> memref<128x64xf32, #tpu.memory_space<vmem>>
      %dma_start3A_673 = arith.constant 0 : i32
      %dma_start3A_674 = tpu.memref_slice %arg4[%add3A_666, %dma_start3A_673] : memref<819200x64xf32, #tpu.memory_space<hbm>> -> memref<128x64xf32, #tpu.memory_space<hbm>>
      %dma_start3A_675 = tpu.memref_slice %arg8[%dma_start3A_668] : memref<8x!tpu.dma_semaphore, #tpu.memory_space<semaphore_mem>> -> memref<1x!tpu.dma_semaphore, #tpu.memory_space<semaphore_mem>>
      %dma_start3A_676 = tpu.memref_squeeze %dma_start3A_675 : memref<1x!tpu.dma_semaphore, #tpu.memory_space<semaphore_mem>> -> memref<!tpu.dma_semaphore, #tpu.memory_space<semaphore_mem>>
      %dma_start3A_677 = arith.constant 0 : i32
      %dma_start3A_678 = tpu.memref_slice %arg4[%add3A_666, %dma_start3A_677] : memref<819200x64xf32, #tpu.memory_space<hbm>> -> memref<128x64xf32, #tpu.memory_space<hbm>>
      %dma_start3A_679 = arith.constant 0 : i32
      %dma_start3A_680 = arith.constant 0 : i32
      %dma_start3A_681 = tpu.memref_slice %arg6[%dma_start3A_667, %dma_start3A_679, %dma_start3A_680] : memref<8x128x64xf32, #tpu.memory_space<vmem>> -> memref<1x128x64xf32, #tpu.memory_space<vmem>>
      %dma_start3A_682 = tpu.memref_squeeze %dma_start3A_681 : memref<1x128x64xf32, #tpu.memory_space<vmem>> -> memref<128x64xf32, #tpu.memory_space<vmem>>
      tpu.enqueue_dma source(%dma_start3A_682 : memref<128x64xf32, #tpu.memory_space<vmem>>) target(%dma_start3A_678 : memref<128x64xf32, #tpu.memory_space<hbm>>) target_semaphore(%dma_start3A_676 : memref<!tpu.dma_semaphore, #tpu.memory_space<semaphore_mem>>)
      %dma_wait3A_683 = arith.constant 3 : i32
      %dma_wait3A_684 = arith.constant 3 : i32
      %dma_wait3A_685 = arith.constant 0 : i32
      %dma_wait3A_686 = arith.constant 0 : i32
      %dma_wait3A_687 = tpu.memref_slice %arg6[%dma_wait3A_683, %dma_wait3A_685, %dma_wait3A_686] : memref<8x128x64xf32, #tpu.memory_space<vmem>> -> memref<1x128x64xf32, #tpu.memory_space<vmem>>
      %dma_wait3A_688 = tpu.memref_squeeze %dma_wait3A_687 : memref<1x128x64xf32, #tpu.memory_space<vmem>> -> memref<128x64xf32, #tpu.memory_space<vmem>>
      %dma_wait3A_689 = arith.constant 0 : i32
      %dma_wait3A_690 = arith.constant 0 : i32
      %dma_wait3A_691 = tpu.memref_slice %arg3[%dma_wait3A_689, %dma_wait3A_690] : memref<1000000x64xf32, #tpu.memory_space<hbm>> -> memref<128x64xf32, #tpu.memory_space<hbm>>
      %dma_wait3A_692 = tpu.memref_slice %arg7[%dma_wait3A_684] : memref<8x!tpu.dma_semaphore, #tpu.memory_space<semaphore_mem>> -> memref<1x!tpu.dma_semaphore, #tpu.memory_space<semaphore_mem>>
      %dma_wait3A_693 = tpu.memref_squeeze %dma_wait3A_692 : memref<1x!tpu.dma_semaphore, #tpu.memory_space<semaphore_mem>> -> memref<!tpu.dma_semaphore, #tpu.memory_space<semaphore_mem>>
      %dma_wait3A_694 = arith.constant 0 : i32
      %dma_wait3A_695 = arith.constant 0 : i32
      %dma_wait3A_696 = tpu.memref_slice %arg6[%dma_wait3A_683, %dma_wait3A_694, %dma_wait3A_695] : memref<8x128x64xf32, #tpu.memory_space<vmem>> -> memref<1x128x64xf32, #tpu.memory_space<vmem>>
      %dma_wait3A_697 = tpu.memref_squeeze %dma_wait3A_696 : memref<1x128x64xf32, #tpu.memory_space<vmem>> -> memref<128x64xf32, #tpu.memory_space<vmem>>
      %dma_wait3A_698 = arith.constant 0 : i32
      %dma_wait3A_699 = arith.constant 0 : i32
      %dma_wait3A_700 = tpu.memref_slice %arg3[%dma_wait3A_698, %dma_wait3A_699] : memref<1000000x64xf32, #tpu.memory_space<hbm>> -> memref<128x64xf32, #tpu.memory_space<hbm>>
      tpu.wait_dma2 semaphore(%dma_wait3A_693 : memref<!tpu.dma_semaphore, #tpu.memory_space<semaphore_mem>>) src(%dma_wait3A_700 : memref<128x64xf32, #tpu.memory_space<hbm>>) dst(%dma_wait3A_697 : memref<128x64xf32, #tpu.memory_space<vmem>>)
      %add3A_701 = arith.constant 3 : i32
      %add3A_702 = arith.addi %mul3A_565, %add3A_701 : i32
      %mul3A_703 = arith.constant 128 : i32
      %mul3A_704 = arith.muli %add3A_702, %mul3A_703 : i32
      %add3A_705 = arith.addi %mul3A_4, %mul3A_704 : i32
      %dma_start3A_706 = arith.constant 3 : i32
      %dma_start3A_707 = arith.constant 3 : i32
      %dma_start3A_708 = arith.constant 0 : i32
      %dma_start3A_709 = arith.constant 0 : i32
      %dma_start3A_710 = tpu.memref_slice %arg6[%dma_start3A_706, %dma_start3A_708, %dma_start3A_709] : memref<8x128x64xf32, #tpu.memory_space<vmem>> -> memref<1x128x64xf32, #tpu.memory_space<vmem>>
      %dma_start3A_711 = tpu.memref_squeeze %dma_start3A_710 : memref<1x128x64xf32, #tpu.memory_space<vmem>> -> memref<128x64xf32, #tpu.memory_space<vmem>>
      %dma_start3A_712 = arith.constant 0 : i32
      %dma_start3A_713 = tpu.memref_slice %arg4[%add3A_705, %dma_start3A_712] : memref<819200x64xf32, #tpu.memory_space<hbm>> -> memref<128x64xf32, #tpu.memory_space<hbm>>
      %dma_start3A_714 = tpu.memref_slice %arg8[%dma_start3A_707] : memref<8x!tpu.dma_semaphore, #tpu.memory_space<semaphore_mem>> -> memref<1x!tpu.dma_semaphore, #tpu.memory_space<semaphore_mem>>
      %dma_start3A_715 = tpu.memref_squeeze %dma_start3A_714 : memref<1x!tpu.dma_semaphore, #tpu.memory_space<semaphore_mem>> -> memref<!tpu.dma_semaphore, #tpu.memory_space<semaphore_mem>>
      %dma_start3A_716 = arith.constant 0 : i32
      %dma_start3A_717 = tpu.memref_slice %arg4[%add3A_705, %dma_start3A_716] : memref<819200x64xf32, #tpu.memory_space<hbm>> -> memref<128x64xf32, #tpu.memory_space<hbm>>
      %dma_start3A_718 = arith.constant 0 : i32
      %dma_start3A_719 = arith.constant 0 : i32
      %dma_start3A_720 = tpu.memref_slice %arg6[%dma_start3A_706, %dma_start3A_718, %dma_start3A_719] : memref<8x128x64xf32, #tpu.memory_space<vmem>> -> memref<1x128x64xf32, #tpu.memory_space<vmem>>
      %dma_start3A_721 = tpu.memref_squeeze %dma_start3A_720 : memref<1x128x64xf32, #tpu.memory_space<vmem>> -> memref<128x64xf32, #tpu.memory_space<vmem>>
      tpu.enqueue_dma source(%dma_start3A_721 : memref<128x64xf32, #tpu.memory_space<vmem>>) target(%dma_start3A_717 : memref<128x64xf32, #tpu.memory_space<hbm>>) target_semaphore(%dma_start3A_715 : memref<!tpu.dma_semaphore, #tpu.memory_space<semaphore_mem>>)
      %dma_wait3A_722 = arith.constant 4 : i32
      %dma_wait3A_723 = arith.constant 4 : i32
      %dma_wait3A_724 = arith.constant 0 : i32
      %dma_wait3A_725 = arith.constant 0 : i32
      %dma_wait3A_726 = tpu.memref_slice %arg6[%dma_wait3A_722, %dma_wait3A_724, %dma_wait3A_725] : memref<8x128x64xf32, #tpu.memory_space<vmem>> -> memref<1x128x64xf32, #tpu.memory_space<vmem>>
      %dma_wait3A_727 = tpu.memref_squeeze %dma_wait3A_726 : memref<1x128x64xf32, #tpu.memory_space<vmem>> -> memref<128x64xf32, #tpu.memory_space<vmem>>
      %dma_wait3A_728 = arith.constant 0 : i32
      %dma_wait3A_729 = arith.constant 0 : i32
      %dma_wait3A_730 = tpu.memref_slice %arg3[%dma_wait3A_728, %dma_wait3A_729] : memref<1000000x64xf32, #tpu.memory_space<hbm>> -> memref<128x64xf32, #tpu.memory_space<hbm>>
      %dma_wait3A_731 = tpu.memref_slice %arg7[%dma_wait3A_723] : memref<8x!tpu.dma_semaphore, #tpu.memory_space<semaphore_mem>> -> memref<1x!tpu.dma_semaphore, #tpu.memory_space<semaphore_mem>>
      %dma_wait3A_732 = tpu.memref_squeeze %dma_wait3A_731 : memref<1x!tpu.dma_semaphore, #tpu.memory_space<semaphore_mem>> -> memref<!tpu.dma_semaphore, #tpu.memory_space<semaphore_mem>>
      %dma_wait3A_733 = arith.constant 0 : i32
      %dma_wait3A_734 = arith.constant 0 : i32
      %dma_wait3A_735 = tpu.memref_slice %arg6[%dma_wait3A_722, %dma_wait3A_733, %dma_wait3A_734] : memref<8x128x64xf32, #tpu.memory_space<vmem>> -> memref<1x128x64xf32, #tpu.memory_space<vmem>>
      %dma_wait3A_736 = tpu.memref_squeeze %dma_wait3A_735 : memref<1x128x64xf32, #tpu.memory_space<vmem>> -> memref<128x64xf32, #tpu.memory_space<vmem>>
      %dma_wait3A_737 = arith.constant 0 : i32
      %dma_wait3A_738 = arith.constant 0 : i32
      %dma_wait3A_739 = tpu.memref_slice %arg3[%dma_wait3A_737, %dma_wait3A_738] : memref<1000000x64xf32, #tpu.memory_space<hbm>> -> memref<128x64xf32, #tpu.memory_space<hbm>>
      tpu.wait_dma2 semaphore(%dma_wait3A_732 : memref<!tpu.dma_semaphore, #tpu.memory_space<semaphore_mem>>) src(%dma_wait3A_739 : memref<128x64xf32, #tpu.memory_space<hbm>>) dst(%dma_wait3A_736 : memref<128x64xf32, #tpu.memory_space<vmem>>)
      %add3A_740 = arith.constant 4 : i32
      %add3A_741 = arith.addi %mul3A_565, %add3A_740 : i32
      %mul3A_742 = arith.constant 128 : i32
      %mul3A_743 = arith.muli %add3A_741, %mul3A_742 : i32
      %add3A_744 = arith.addi %mul3A_4, %mul3A_743 : i32
      %dma_start3A_745 = arith.constant 4 : i32
      %dma_start3A_746 = arith.constant 4 : i32
      %dma_start3A_747 = arith.constant 0 : i32
      %dma_start3A_748 = arith.constant 0 : i32
      %dma_start3A_749 = tpu.memref_slice %arg6[%dma_start3A_745, %dma_start3A_747, %dma_start3A_748] : memref<8x128x64xf32, #tpu.memory_space<vmem>> -> memref<1x128x64xf32, #tpu.memory_space<vmem>>
      %dma_start3A_750 = tpu.memref_squeeze %dma_start3A_749 : memref<1x128x64xf32, #tpu.memory_space<vmem>> -> memref<128x64xf32, #tpu.memory_space<vmem>>
      %dma_start3A_751 = arith.constant 0 : i32
      %dma_start3A_752 = tpu.memref_slice %arg4[%add3A_744, %dma_start3A_751] : memref<819200x64xf32, #tpu.memory_space<hbm>> -> memref<128x64xf32, #tpu.memory_space<hbm>>
      %dma_start3A_753 = tpu.memref_slice %arg8[%dma_start3A_746] : memref<8x!tpu.dma_semaphore, #tpu.memory_space<semaphore_mem>> -> memref<1x!tpu.dma_semaphore, #tpu.memory_space<semaphore_mem>>
      %dma_start3A_754 = tpu.memref_squeeze %dma_start3A_753 : memref<1x!tpu.dma_semaphore, #tpu.memory_space<semaphore_mem>> -> memref<!tpu.dma_semaphore, #tpu.memory_space<semaphore_mem>>
      %dma_start3A_755 = arith.constant 0 : i32
      %dma_start3A_756 = tpu.memref_slice %arg4[%add3A_744, %dma_start3A_755] : memref<819200x64xf32, #tpu.memory_space<hbm>> -> memref<128x64xf32, #tpu.memory_space<hbm>>
      %dma_start3A_757 = arith.constant 0 : i32
      %dma_start3A_758 = arith.constant 0 : i32
      %dma_start3A_759 = tpu.memref_slice %arg6[%dma_start3A_745, %dma_start3A_757, %dma_start3A_758] : memref<8x128x64xf32, #tpu.memory_space<vmem>> -> memref<1x128x64xf32, #tpu.memory_space<vmem>>
      %dma_start3A_760 = tpu.memref_squeeze %dma_start3A_759 : memref<1x128x64xf32, #tpu.memory_space<vmem>> -> memref<128x64xf32, #tpu.memory_space<vmem>>
      tpu.enqueue_dma source(%dma_start3A_760 : memref<128x64xf32, #tpu.memory_space<vmem>>) target(%dma_start3A_756 : memref<128x64xf32, #tpu.memory_space<hbm>>) target_semaphore(%dma_start3A_754 : memref<!tpu.dma_semaphore, #tpu.memory_space<semaphore_mem>>)
      %dma_wait3A_761 = arith.constant 5 : i32
      %dma_wait3A_762 = arith.constant 5 : i32
      %dma_wait3A_763 = arith.constant 0 : i32
      %dma_wait3A_764 = arith.constant 0 : i32
      %dma_wait3A_765 = tpu.memref_slice %arg6[%dma_wait3A_761, %dma_wait3A_763, %dma_wait3A_764] : memref<8x128x64xf32, #tpu.memory_space<vmem>> -> memref<1x128x64xf32, #tpu.memory_space<vmem>>
      %dma_wait3A_766 = tpu.memref_squeeze %dma_wait3A_765 : memref<1x128x64xf32, #tpu.memory_space<vmem>> -> memref<128x64xf32, #tpu.memory_space<vmem>>
      %dma_wait3A_767 = arith.constant 0 : i32
      %dma_wait3A_768 = arith.constant 0 : i32
      %dma_wait3A_769 = tpu.memref_slice %arg3[%dma_wait3A_767, %dma_wait3A_768] : memref<1000000x64xf32, #tpu.memory_space<hbm>> -> memref<128x64xf32, #tpu.memory_space<hbm>>
      %dma_wait3A_770 = tpu.memref_slice %arg7[%dma_wait3A_762] : memref<8x!tpu.dma_semaphore, #tpu.memory_space<semaphore_mem>> -> memref<1x!tpu.dma_semaphore, #tpu.memory_space<semaphore_mem>>
      %dma_wait3A_771 = tpu.memref_squeeze %dma_wait3A_770 : memref<1x!tpu.dma_semaphore, #tpu.memory_space<semaphore_mem>> -> memref<!tpu.dma_semaphore, #tpu.memory_space<semaphore_mem>>
      %dma_wait3A_772 = arith.constant 0 : i32
      %dma_wait3A_773 = arith.constant 0 : i32
      %dma_wait3A_774 = tpu.memref_slice %arg6[%dma_wait3A_761, %dma_wait3A_772, %dma_wait3A_773] : memref<8x128x64xf32, #tpu.memory_space<vmem>> -> memref<1x128x64xf32, #tpu.memory_space<vmem>>
      %dma_wait3A_775 = tpu.memref_squeeze %dma_wait3A_774 : memref<1x128x64xf32, #tpu.memory_space<vmem>> -> memref<128x64xf32, #tpu.memory_space<vmem>>
      %dma_wait3A_776 = arith.constant 0 : i32
      %dma_wait3A_777 = arith.constant 0 : i32
      %dma_wait3A_778 = tpu.memref_slice %arg3[%dma_wait3A_776, %dma_wait3A_777] : memref<1000000x64xf32, #tpu.memory_space<hbm>> -> memref<128x64xf32, #tpu.memory_space<hbm>>
      tpu.wait_dma2 semaphore(%dma_wait3A_771 : memref<!tpu.dma_semaphore, #tpu.memory_space<semaphore_mem>>) src(%dma_wait3A_778 : memref<128x64xf32, #tpu.memory_space<hbm>>) dst(%dma_wait3A_775 : memref<128x64xf32, #tpu.memory_space<vmem>>)
      %add3A_779 = arith.constant 5 : i32
      %add3A_780 = arith.addi %mul3A_565, %add3A_779 : i32
      %mul3A_781 = arith.constant 128 : i32
      %mul3A_782 = arith.muli %add3A_780, %mul3A_781 : i32
      %add3A_783 = arith.addi %mul3A_4, %mul3A_782 : i32
      %dma_start3A_784 = arith.constant 5 : i32
      %dma_start3A_785 = arith.constant 5 : i32
      %dma_start3A_786 = arith.constant 0 : i32
      %dma_start3A_787 = arith.constant 0 : i32
      %dma_start3A_788 = tpu.memref_slice %arg6[%dma_start3A_784, %dma_start3A_786, %dma_start3A_787] : memref<8x128x64xf32, #tpu.memory_space<vmem>> -> memref<1x128x64xf32, #tpu.memory_space<vmem>>
      %dma_start3A_789 = tpu.memref_squeeze %dma_start3A_788 : memref<1x128x64xf32, #tpu.memory_space<vmem>> -> memref<128x64xf32, #tpu.memory_space<vmem>>
      %dma_start3A_790 = arith.constant 0 : i32
      %dma_start3A_791 = tpu.memref_slice %arg4[%add3A_783, %dma_start3A_790] : memref<819200x64xf32, #tpu.memory_space<hbm>> -> memref<128x64xf32, #tpu.memory_space<hbm>>
      %dma_start3A_792 = tpu.memref_slice %arg8[%dma_start3A_785] : memref<8x!tpu.dma_semaphore, #tpu.memory_space<semaphore_mem>> -> memref<1x!tpu.dma_semaphore, #tpu.memory_space<semaphore_mem>>
      %dma_start3A_793 = tpu.memref_squeeze %dma_start3A_792 : memref<1x!tpu.dma_semaphore, #tpu.memory_space<semaphore_mem>> -> memref<!tpu.dma_semaphore, #tpu.memory_space<semaphore_mem>>
      %dma_start3A_794 = arith.constant 0 : i32
      %dma_start3A_795 = tpu.memref_slice %arg4[%add3A_783, %dma_start3A_794] : memref<819200x64xf32, #tpu.memory_space<hbm>> -> memref<128x64xf32, #tpu.memory_space<hbm>>
      %dma_start3A_796 = arith.constant 0 : i32
      %dma_start3A_797 = arith.constant 0 : i32
      %dma_start3A_798 = tpu.memref_slice %arg6[%dma_start3A_784, %dma_start3A_796, %dma_start3A_797] : memref<8x128x64xf32, #tpu.memory_space<vmem>> -> memref<1x128x64xf32, #tpu.memory_space<vmem>>
      %dma_start3A_799 = tpu.memref_squeeze %dma_start3A_798 : memref<1x128x64xf32, #tpu.memory_space<vmem>> -> memref<128x64xf32, #tpu.memory_space<vmem>>
      tpu.enqueue_dma source(%dma_start3A_799 : memref<128x64xf32, #tpu.memory_space<vmem>>) target(%dma_start3A_795 : memref<128x64xf32, #tpu.memory_space<hbm>>) target_semaphore(%dma_start3A_793 : memref<!tpu.dma_semaphore, #tpu.memory_space<semaphore_mem>>)
      %dma_wait3A_800 = arith.constant 6 : i32
      %dma_wait3A_801 = arith.constant 6 : i32
      %dma_wait3A_802 = arith.constant 0 : i32
      %dma_wait3A_803 = arith.constant 0 : i32
      %dma_wait3A_804 = tpu.memref_slice %arg6[%dma_wait3A_800, %dma_wait3A_802, %dma_wait3A_803] : memref<8x128x64xf32, #tpu.memory_space<vmem>> -> memref<1x128x64xf32, #tpu.memory_space<vmem>>
      %dma_wait3A_805 = tpu.memref_squeeze %dma_wait3A_804 : memref<1x128x64xf32, #tpu.memory_space<vmem>> -> memref<128x64xf32, #tpu.memory_space<vmem>>
      %dma_wait3A_806 = arith.constant 0 : i32
      %dma_wait3A_807 = arith.constant 0 : i32
      %dma_wait3A_808 = tpu.memref_slice %arg3[%dma_wait3A_806, %dma_wait3A_807] : memref<1000000x64xf32, #tpu.memory_space<hbm>> -> memref<128x64xf32, #tpu.memory_space<hbm>>
      %dma_wait3A_809 = tpu.memref_slice %arg7[%dma_wait3A_801] : memref<8x!tpu.dma_semaphore, #tpu.memory_space<semaphore_mem>> -> memref<1x!tpu.dma_semaphore, #tpu.memory_space<semaphore_mem>>
      %dma_wait3A_810 = tpu.memref_squeeze %dma_wait3A_809 : memref<1x!tpu.dma_semaphore, #tpu.memory_space<semaphore_mem>> -> memref<!tpu.dma_semaphore, #tpu.memory_space<semaphore_mem>>
      %dma_wait3A_811 = arith.constant 0 : i32
      %dma_wait3A_812 = arith.constant 0 : i32
      %dma_wait3A_813 = tpu.memref_slice %arg6[%dma_wait3A_800, %dma_wait3A_811, %dma_wait3A_812] : memref<8x128x64xf32, #tpu.memory_space<vmem>> -> memref<1x128x64xf32, #tpu.memory_space<vmem>>
      %dma_wait3A_814 = tpu.memref_squeeze %dma_wait3A_813 : memref<1x128x64xf32, #tpu.memory_space<vmem>> -> memref<128x64xf32, #tpu.memory_space<vmem>>
      %dma_wait3A_815 = arith.constant 0 : i32
      %dma_wait3A_816 = arith.constant 0 : i32
      %dma_wait3A_817 = tpu.memref_slice %arg3[%dma_wait3A_815, %dma_wait3A_816] : memref<1000000x64xf32, #tpu.memory_space<hbm>> -> memref<128x64xf32, #tpu.memory_space<hbm>>
      tpu.wait_dma2 semaphore(%dma_wait3A_810 : memref<!tpu.dma_semaphore, #tpu.memory_space<semaphore_mem>>) src(%dma_wait3A_817 : memref<128x64xf32, #tpu.memory_space<hbm>>) dst(%dma_wait3A_814 : memref<128x64xf32, #tpu.memory_space<vmem>>)
      %add3A_818 = arith.constant 6 : i32
      %add3A_819 = arith.addi %mul3A_565, %add3A_818 : i32
      %mul3A_820 = arith.constant 128 : i32
      %mul3A_821 = arith.muli %add3A_819, %mul3A_820 : i32
      %add3A_822 = arith.addi %mul3A_4, %mul3A_821 : i32
      %dma_start3A_823 = arith.constant 6 : i32
      %dma_start3A_824 = arith.constant 6 : i32
      %dma_start3A_825 = arith.constant 0 : i32
      %dma_start3A_826 = arith.constant 0 : i32
      %dma_start3A_827 = tpu.memref_slice %arg6[%dma_start3A_823, %dma_start3A_825, %dma_start3A_826] : memref<8x128x64xf32, #tpu.memory_space<vmem>> -> memref<1x128x64xf32, #tpu.memory_space<vmem>>
      %dma_start3A_828 = tpu.memref_squeeze %dma_start3A_827 : memref<1x128x64xf32, #tpu.memory_space<vmem>> -> memref<128x64xf32, #tpu.memory_space<vmem>>
      %dma_start3A_829 = arith.constant 0 : i32
      %dma_start3A_830 = tpu.memref_slice %arg4[%add3A_822, %dma_start3A_829] : memref<819200x64xf32, #tpu.memory_space<hbm>> -> memref<128x64xf32, #tpu.memory_space<hbm>>
      %dma_start3A_831 = tpu.memref_slice %arg8[%dma_start3A_824] : memref<8x!tpu.dma_semaphore, #tpu.memory_space<semaphore_mem>> -> memref<1x!tpu.dma_semaphore, #tpu.memory_space<semaphore_mem>>
      %dma_start3A_832 = tpu.memref_squeeze %dma_start3A_831 : memref<1x!tpu.dma_semaphore, #tpu.memory_space<semaphore_mem>> -> memref<!tpu.dma_semaphore, #tpu.memory_space<semaphore_mem>>
      %dma_start3A_833 = arith.constant 0 : i32
      %dma_start3A_834 = tpu.memref_slice %arg4[%add3A_822, %dma_start3A_833] : memref<819200x64xf32, #tpu.memory_space<hbm>> -> memref<128x64xf32, #tpu.memory_space<hbm>>
      %dma_start3A_835 = arith.constant 0 : i32
      %dma_start3A_836 = arith.constant 0 : i32
      %dma_start3A_837 = tpu.memref_slice %arg6[%dma_start3A_823, %dma_start3A_835, %dma_start3A_836] : memref<8x128x64xf32, #tpu.memory_space<vmem>> -> memref<1x128x64xf32, #tpu.memory_space<vmem>>
      %dma_start3A_838 = tpu.memref_squeeze %dma_start3A_837 : memref<1x128x64xf32, #tpu.memory_space<vmem>> -> memref<128x64xf32, #tpu.memory_space<vmem>>
      tpu.enqueue_dma source(%dma_start3A_838 : memref<128x64xf32, #tpu.memory_space<vmem>>) target(%dma_start3A_834 : memref<128x64xf32, #tpu.memory_space<hbm>>) target_semaphore(%dma_start3A_832 : memref<!tpu.dma_semaphore, #tpu.memory_space<semaphore_mem>>)
      %dma_wait3A_839 = arith.constant 7 : i32
      %dma_wait3A_840 = arith.constant 7 : i32
      %dma_wait3A_841 = arith.constant 0 : i32
      %dma_wait3A_842 = arith.constant 0 : i32
      %dma_wait3A_843 = tpu.memref_slice %arg6[%dma_wait3A_839, %dma_wait3A_841, %dma_wait3A_842] : memref<8x128x64xf32, #tpu.memory_space<vmem>> -> memref<1x128x64xf32, #tpu.memory_space<vmem>>
      %dma_wait3A_844 = tpu.memref_squeeze %dma_wait3A_843 : memref<1x128x64xf32, #tpu.memory_space<vmem>> -> memref<128x64xf32, #tpu.memory_space<vmem>>
      %dma_wait3A_845 = arith.constant 0 : i32
      %dma_wait3A_846 = arith.constant 0 : i32
      %dma_wait3A_847 = tpu.memref_slice %arg3[%dma_wait3A_845, %dma_wait3A_846] : memref<1000000x64xf32, #tpu.memory_space<hbm>> -> memref<128x64xf32, #tpu.memory_space<hbm>>
      %dma_wait3A_848 = tpu.memref_slice %arg7[%dma_wait3A_840] : memref<8x!tpu.dma_semaphore, #tpu.memory_space<semaphore_mem>> -> memref<1x!tpu.dma_semaphore, #tpu.memory_space<semaphore_mem>>
      %dma_wait3A_849 = tpu.memref_squeeze %dma_wait3A_848 : memref<1x!tpu.dma_semaphore, #tpu.memory_space<semaphore_mem>> -> memref<!tpu.dma_semaphore, #tpu.memory_space<semaphore_mem>>
      %dma_wait3A_850 = arith.constant 0 : i32
      %dma_wait3A_851 = arith.constant 0 : i32
      %dma_wait3A_852 = tpu.memref_slice %arg6[%dma_wait3A_839, %dma_wait3A_850, %dma_wait3A_851] : memref<8x128x64xf32, #tpu.memory_space<vmem>> -> memref<1x128x64xf32, #tpu.memory_space<vmem>>
      %dma_wait3A_853 = tpu.memref_squeeze %dma_wait3A_852 : memref<1x128x64xf32, #tpu.memory_space<vmem>> -> memref<128x64xf32, #tpu.memory_space<vmem>>
      %dma_wait3A_854 = arith.constant 0 : i32
      %dma_wait3A_855 = arith.constant 0 : i32
      %dma_wait3A_856 = tpu.memref_slice %arg3[%dma_wait3A_854, %dma_wait3A_855] : memref<1000000x64xf32, #tpu.memory_space<hbm>> -> memref<128x64xf32, #tpu.memory_space<hbm>>
      tpu.wait_dma2 semaphore(%dma_wait3A_849 : memref<!tpu.dma_semaphore, #tpu.memory_space<semaphore_mem>>) src(%dma_wait3A_856 : memref<128x64xf32, #tpu.memory_space<hbm>>) dst(%dma_wait3A_853 : memref<128x64xf32, #tpu.memory_space<vmem>>)
      %add3A_857 = arith.constant 7 : i32
      %add3A_858 = arith.addi %mul3A_565, %add3A_857 : i32
      %mul3A_859 = arith.constant 128 : i32
      %mul3A_860 = arith.muli %add3A_858, %mul3A_859 : i32
      %add3A_861 = arith.addi %mul3A_4, %mul3A_860 : i32
      %dma_start3A_862 = arith.constant 7 : i32
      %dma_start3A_863 = arith.constant 7 : i32
      %dma_start3A_864 = arith.constant 0 : i32
      %dma_start3A_865 = arith.constant 0 : i32
      %dma_start3A_866 = tpu.memref_slice %arg6[%dma_start3A_862, %dma_start3A_864, %dma_start3A_865] : memref<8x128x64xf32, #tpu.memory_space<vmem>> -> memref<1x128x64xf32, #tpu.memory_space<vmem>>
      %dma_start3A_867 = tpu.memref_squeeze %dma_start3A_866 : memref<1x128x64xf32, #tpu.memory_space<vmem>> -> memref<128x64xf32, #tpu.memory_space<vmem>>
      %dma_start3A_868 = arith.constant 0 : i32
      %dma_start3A_869 = tpu.memref_slice %arg4[%add3A_861, %dma_start3A_868] : memref<819200x64xf32, #tpu.memory_space<hbm>> -> memref<128x64xf32, #tpu.memory_space<hbm>>
      %dma_start3A_870 = tpu.memref_slice %arg8[%dma_start3A_863] : memref<8x!tpu.dma_semaphore, #tpu.memory_space<semaphore_mem>> -> memref<1x!tpu.dma_semaphore, #tpu.memory_space<semaphore_mem>>
      %dma_start3A_871 = tpu.memref_squeeze %dma_start3A_870 : memref<1x!tpu.dma_semaphore, #tpu.memory_space<semaphore_mem>> -> memref<!tpu.dma_semaphore, #tpu.memory_space<semaphore_mem>>
      %dma_start3A_872 = arith.constant 0 : i32
      %dma_start3A_873 = tpu.memref_slice %arg4[%add3A_861, %dma_start3A_872] : memref<819200x64xf32, #tpu.memory_space<hbm>> -> memref<128x64xf32, #tpu.memory_space<hbm>>
      %dma_start3A_874 = arith.constant 0 : i32
      %dma_start3A_875 = arith.constant 0 : i32
      %dma_start3A_876 = tpu.memref_slice %arg6[%dma_start3A_862, %dma_start3A_874, %dma_start3A_875] : memref<8x128x64xf32, #tpu.memory_space<vmem>> -> memref<1x128x64xf32, #tpu.memory_space<vmem>>
      %dma_start3A_877 = tpu.memref_squeeze %dma_start3A_876 : memref<1x128x64xf32, #tpu.memory_space<vmem>> -> memref<128x64xf32, #tpu.memory_space<vmem>>
      tpu.enqueue_dma source(%dma_start3A_877 : memref<128x64xf32, #tpu.memory_space<vmem>>) target(%dma_start3A_873 : memref<128x64xf32, #tpu.memory_space<hbm>>) target_semaphore(%dma_start3A_871 : memref<!tpu.dma_semaphore, #tpu.memory_space<semaphore_mem>>)
      %dma_wait3A_878 = arith.constant 0 : i32
      %dma_wait3A_879 = arith.constant 0 : i32
      %dma_wait3A_880 = arith.constant 0 : i32
      %dma_wait3A_881 = arith.constant 0 : i32
      %dma_wait3A_882 = tpu.memref_slice %arg6[%dma_wait3A_878, %dma_wait3A_880, %dma_wait3A_881] : memref<8x128x64xf32, #tpu.memory_space<vmem>> -> memref<1x128x64xf32, #tpu.memory_space<vmem>>
      %dma_wait3A_883 = tpu.memref_squeeze %dma_wait3A_882 : memref<1x128x64xf32, #tpu.memory_space<vmem>> -> memref<128x64xf32, #tpu.memory_space<vmem>>
      %dma_wait3A_884 = arith.constant 0 : i32
      %dma_wait3A_885 = arith.constant 0 : i32
      %dma_wait3A_886 = tpu.memref_slice %arg3[%dma_wait3A_884, %dma_wait3A_885] : memref<1000000x64xf32, #tpu.memory_space<hbm>> -> memref<128x64xf32, #tpu.memory_space<hbm>>
      %dma_wait3A_887 = tpu.memref_slice %arg8[%dma_wait3A_879] : memref<8x!tpu.dma_semaphore, #tpu.memory_space<semaphore_mem>> -> memref<1x!tpu.dma_semaphore, #tpu.memory_space<semaphore_mem>>
      %dma_wait3A_888 = tpu.memref_squeeze %dma_wait3A_887 : memref<1x!tpu.dma_semaphore, #tpu.memory_space<semaphore_mem>> -> memref<!tpu.dma_semaphore, #tpu.memory_space<semaphore_mem>>
      %dma_wait3A_889 = arith.constant 0 : i32
      %dma_wait3A_890 = arith.constant 0 : i32
      %dma_wait3A_891 = tpu.memref_slice %arg6[%dma_wait3A_878, %dma_wait3A_889, %dma_wait3A_890] : memref<8x128x64xf32, #tpu.memory_space<vmem>> -> memref<1x128x64xf32, #tpu.memory_space<vmem>>
      %dma_wait3A_892 = tpu.memref_squeeze %dma_wait3A_891 : memref<1x128x64xf32, #tpu.memory_space<vmem>> -> memref<128x64xf32, #tpu.memory_space<vmem>>
      %dma_wait3A_893 = arith.constant 0 : i32
      %dma_wait3A_894 = arith.constant 0 : i32
      %dma_wait3A_895 = tpu.memref_slice %arg3[%dma_wait3A_893, %dma_wait3A_894] : memref<1000000x64xf32, #tpu.memory_space<hbm>> -> memref<128x64xf32, #tpu.memory_space<hbm>>
      tpu.wait_dma2 semaphore(%dma_wait3A_888 : memref<!tpu.dma_semaphore, #tpu.memory_space<semaphore_mem>>) src(%dma_wait3A_895 : memref<128x64xf32, #tpu.memory_space<hbm>>) dst(%dma_wait3A_892 : memref<128x64xf32, #tpu.memory_space<vmem>>)
      %add3A_896 = arith.constant 8 : i32
      %add3A_897 = arith.addi %mul3A_565, %add3A_896 : i32
      %add3A_898 = arith.constant 0 : i32
      %add3A_899 = arith.addi %add3A_897, %add3A_898 : i32
      %dma_start3A_900 = arith.constant 0 : i32
      %dma_start3A_901 = arith.constant 0 : i32
      %dma_start3A_902 = arith.constant 0 : i32
      %dma_start3A_903 = arith.constant 0 : i32
      %dma_start3A_904 = tpu.memref_slice %arg6[%dma_start3A_900, %dma_start3A_902, %dma_start3A_903] : memref<8x128x64xf32, #tpu.memory_space<vmem>> -> memref<1x128x64xf32, #tpu.memory_space<vmem>>
      %dma_start3A_905 = tpu.memref_squeeze %dma_start3A_904 : memref<1x128x64xf32, #tpu.memory_space<vmem>> -> memref<128x64xf32, #tpu.memory_space<vmem>>
      %dma_start3A_906 = arith.constant 0 : i32
      %dma_start3A_907 = tpu.memref_slice %arg5[%add3A_899, %dma_start3A_906] : memref<200x128xi32, #tpu.memory_space<vmem>> -> memref<1x128xi32, #tpu.memory_space<vmem>>
      %dma_start3A_908 = tpu.memref_squeeze %dma_start3A_907 : memref<1x128xi32, #tpu.memory_space<vmem>> -> memref<128xi32, #tpu.memory_space<vmem>>
      %dma_start3A_909 = arith.constant 0 : i32
      %dma_start3A_910 = arith.constant 0 : i32
      %dma_start3A_911 = tpu.memref_slice %arg3[%dma_start3A_909, %dma_start3A_910] : memref<1000000x64xf32, #tpu.memory_space<hbm>> -> memref<1000000x64xf32, #tpu.memory_space<hbm>>
      %dma_start3A_912 = tpu.memref_slice %arg7[%dma_start3A_901] : memref<8x!tpu.dma_semaphore, #tpu.memory_space<semaphore_mem>> -> memref<1x!tpu.dma_semaphore, #tpu.memory_space<semaphore_mem>>
      %dma_start3A_913 = tpu.memref_squeeze %dma_start3A_912 : memref<1x!tpu.dma_semaphore, #tpu.memory_space<semaphore_mem>> -> memref<!tpu.dma_semaphore, #tpu.memory_space<semaphore_mem>>
      tpu.enqueue_indirect_dma source(%dma_start3A_911 : memref<1000000x64xf32, #tpu.memory_space<hbm>>) target(%dma_start3A_905 : memref<128x64xf32, #tpu.memory_space<vmem>>) offsets(%dma_start3A_908 : memref<128xi32, #tpu.memory_space<vmem>>) semaphore(%dma_start3A_913 : memref<!tpu.dma_semaphore, #tpu.memory_space<semaphore_mem>>)
      %dma_wait3A_914 = arith.constant 1 : i32
      %dma_wait3A_915 = arith.constant 1 : i32
      %dma_wait3A_916 = arith.constant 0 : i32
      %dma_wait3A_917 = arith.constant 0 : i32
      %dma_wait3A_918 = tpu.memref_slice %arg6[%dma_wait3A_914, %dma_wait3A_916, %dma_wait3A_917] : memref<8x128x64xf32, #tpu.memory_space<vmem>> -> memref<1x128x64xf32, #tpu.memory_space<vmem>>
      %dma_wait3A_919 = tpu.memref_squeeze %dma_wait3A_918 : memref<1x128x64xf32, #tpu.memory_space<vmem>> -> memref<128x64xf32, #tpu.memory_space<vmem>>
      %dma_wait3A_920 = arith.constant 0 : i32
      %dma_wait3A_921 = arith.constant 0 : i32
      %dma_wait3A_922 = tpu.memref_slice %arg3[%dma_wait3A_920, %dma_wait3A_921] : memref<1000000x64xf32, #tpu.memory_space<hbm>> -> memref<128x64xf32, #tpu.memory_space<hbm>>
      %dma_wait3A_923 = tpu.memref_slice %arg8[%dma_wait3A_915] : memref<8x!tpu.dma_semaphore, #tpu.memory_space<semaphore_mem>> -> memref<1x!tpu.dma_semaphore, #tpu.memory_space<semaphore_mem>>
      %dma_wait3A_924 = tpu.memref_squeeze %dma_wait3A_923 : memref<1x!tpu.dma_semaphore, #tpu.memory_space<semaphore_mem>> -> memref<!tpu.dma_semaphore, #tpu.memory_space<semaphore_mem>>
      %dma_wait3A_925 = arith.constant 0 : i32
      %dma_wait3A_926 = arith.constant 0 : i32
      %dma_wait3A_927 = tpu.memref_slice %arg6[%dma_wait3A_914, %dma_wait3A_925, %dma_wait3A_926] : memref<8x128x64xf32, #tpu.memory_space<vmem>> -> memref<1x128x64xf32, #tpu.memory_space<vmem>>
      %dma_wait3A_928 = tpu.memref_squeeze %dma_wait3A_927 : memref<1x128x64xf32, #tpu.memory_space<vmem>> -> memref<128x64xf32, #tpu.memory_space<vmem>>
      %dma_wait3A_929 = arith.constant 0 : i32
      %dma_wait3A_930 = arith.constant 0 : i32
      %dma_wait3A_931 = tpu.memref_slice %arg3[%dma_wait3A_929, %dma_wait3A_930] : memref<1000000x64xf32, #tpu.memory_space<hbm>> -> memref<128x64xf32, #tpu.memory_space<hbm>>
      tpu.wait_dma2 semaphore(%dma_wait3A_924 : memref<!tpu.dma_semaphore, #tpu.memory_space<semaphore_mem>>) src(%dma_wait3A_931 : memref<128x64xf32, #tpu.memory_space<hbm>>) dst(%dma_wait3A_928 : memref<128x64xf32, #tpu.memory_space<vmem>>)
      %add3A_932 = arith.constant 8 : i32
      %add3A_933 = arith.addi %mul3A_565, %add3A_932 : i32
      %add3A_934 = arith.constant 1 : i32
      %add3A_935 = arith.addi %add3A_933, %add3A_934 : i32
      %dma_start3A_936 = arith.constant 1 : i32
      %dma_start3A_937 = arith.constant 1 : i32
      %dma_start3A_938 = arith.constant 0 : i32
      %dma_start3A_939 = arith.constant 0 : i32
      %dma_start3A_940 = tpu.memref_slice %arg6[%dma_start3A_936, %dma_start3A_938, %dma_start3A_939] : memref<8x128x64xf32, #tpu.memory_space<vmem>> -> memref<1x128x64xf32, #tpu.memory_space<vmem>>
      %dma_start3A_941 = tpu.memref_squeeze %dma_start3A_940 : memref<1x128x64xf32, #tpu.memory_space<vmem>> -> memref<128x64xf32, #tpu.memory_space<vmem>>
      %dma_start3A_942 = arith.constant 0 : i32
      %dma_start3A_943 = tpu.memref_slice %arg5[%add3A_935, %dma_start3A_942] : memref<200x128xi32, #tpu.memory_space<vmem>> -> memref<1x128xi32, #tpu.memory_space<vmem>>
      %dma_start3A_944 = tpu.memref_squeeze %dma_start3A_943 : memref<1x128xi32, #tpu.memory_space<vmem>> -> memref<128xi32, #tpu.memory_space<vmem>>
      %dma_start3A_945 = arith.constant 0 : i32
      %dma_start3A_946 = arith.constant 0 : i32
      %dma_start3A_947 = tpu.memref_slice %arg3[%dma_start3A_945, %dma_start3A_946] : memref<1000000x64xf32, #tpu.memory_space<hbm>> -> memref<1000000x64xf32, #tpu.memory_space<hbm>>
      %dma_start3A_948 = tpu.memref_slice %arg7[%dma_start3A_937] : memref<8x!tpu.dma_semaphore, #tpu.memory_space<semaphore_mem>> -> memref<1x!tpu.dma_semaphore, #tpu.memory_space<semaphore_mem>>
      %dma_start3A_949 = tpu.memref_squeeze %dma_start3A_948 : memref<1x!tpu.dma_semaphore, #tpu.memory_space<semaphore_mem>> -> memref<!tpu.dma_semaphore, #tpu.memory_space<semaphore_mem>>
      tpu.enqueue_indirect_dma source(%dma_start3A_947 : memref<1000000x64xf32, #tpu.memory_space<hbm>>) target(%dma_start3A_941 : memref<128x64xf32, #tpu.memory_space<vmem>>) offsets(%dma_start3A_944 : memref<128xi32, #tpu.memory_space<vmem>>) semaphore(%dma_start3A_949 : memref<!tpu.dma_semaphore, #tpu.memory_space<semaphore_mem>>)
      %dma_wait3A_950 = arith.constant 2 : i32
      %dma_wait3A_951 = arith.constant 2 : i32
      %dma_wait3A_952 = arith.constant 0 : i32
      %dma_wait3A_953 = arith.constant 0 : i32
      %dma_wait3A_954 = tpu.memref_slice %arg6[%dma_wait3A_950, %dma_wait3A_952, %dma_wait3A_953] : memref<8x128x64xf32, #tpu.memory_space<vmem>> -> memref<1x128x64xf32, #tpu.memory_space<vmem>>
      %dma_wait3A_955 = tpu.memref_squeeze %dma_wait3A_954 : memref<1x128x64xf32, #tpu.memory_space<vmem>> -> memref<128x64xf32, #tpu.memory_space<vmem>>
      %dma_wait3A_956 = arith.constant 0 : i32
      %dma_wait3A_957 = arith.constant 0 : i32
      %dma_wait3A_958 = tpu.memref_slice %arg3[%dma_wait3A_956, %dma_wait3A_957] : memref<1000000x64xf32, #tpu.memory_space<hbm>> -> memref<128x64xf32, #tpu.memory_space<hbm>>
      %dma_wait3A_959 = tpu.memref_slice %arg8[%dma_wait3A_951] : memref<8x!tpu.dma_semaphore, #tpu.memory_space<semaphore_mem>> -> memref<1x!tpu.dma_semaphore, #tpu.memory_space<semaphore_mem>>
      %dma_wait3A_960 = tpu.memref_squeeze %dma_wait3A_959 : memref<1x!tpu.dma_semaphore, #tpu.memory_space<semaphore_mem>> -> memref<!tpu.dma_semaphore, #tpu.memory_space<semaphore_mem>>
      %dma_wait3A_961 = arith.constant 0 : i32
      %dma_wait3A_962 = arith.constant 0 : i32
      %dma_wait3A_963 = tpu.memref_slice %arg6[%dma_wait3A_950, %dma_wait3A_961, %dma_wait3A_962] : memref<8x128x64xf32, #tpu.memory_space<vmem>> -> memref<1x128x64xf32, #tpu.memory_space<vmem>>
      %dma_wait3A_964 = tpu.memref_squeeze %dma_wait3A_963 : memref<1x128x64xf32, #tpu.memory_space<vmem>> -> memref<128x64xf32, #tpu.memory_space<vmem>>
      %dma_wait3A_965 = arith.constant 0 : i32
      %dma_wait3A_966 = arith.constant 0 : i32
      %dma_wait3A_967 = tpu.memref_slice %arg3[%dma_wait3A_965, %dma_wait3A_966] : memref<1000000x64xf32, #tpu.memory_space<hbm>> -> memref<128x64xf32, #tpu.memory_space<hbm>>
      tpu.wait_dma2 semaphore(%dma_wait3A_960 : memref<!tpu.dma_semaphore, #tpu.memory_space<semaphore_mem>>) src(%dma_wait3A_967 : memref<128x64xf32, #tpu.memory_space<hbm>>) dst(%dma_wait3A_964 : memref<128x64xf32, #tpu.memory_space<vmem>>)
      %add3A_968 = arith.constant 8 : i32
      %add3A_969 = arith.addi %mul3A_565, %add3A_968 : i32
      %add3A_970 = arith.constant 2 : i32
      %add3A_971 = arith.addi %add3A_969, %add3A_970 : i32
      %dma_start3A_972 = arith.constant 2 : i32
      %dma_start3A_973 = arith.constant 2 : i32
      %dma_start3A_974 = arith.constant 0 : i32
      %dma_start3A_975 = arith.constant 0 : i32
      %dma_start3A_976 = tpu.memref_slice %arg6[%dma_start3A_972, %dma_start3A_974, %dma_start3A_975] : memref<8x128x64xf32, #tpu.memory_space<vmem>> -> memref<1x128x64xf32, #tpu.memory_space<vmem>>
      %dma_start3A_977 = tpu.memref_squeeze %dma_start3A_976 : memref<1x128x64xf32, #tpu.memory_space<vmem>> -> memref<128x64xf32, #tpu.memory_space<vmem>>
      %dma_start3A_978 = arith.constant 0 : i32
      %dma_start3A_979 = tpu.memref_slice %arg5[%add3A_971, %dma_start3A_978] : memref<200x128xi32, #tpu.memory_space<vmem>> -> memref<1x128xi32, #tpu.memory_space<vmem>>
      %dma_start3A_980 = tpu.memref_squeeze %dma_start3A_979 : memref<1x128xi32, #tpu.memory_space<vmem>> -> memref<128xi32, #tpu.memory_space<vmem>>
      %dma_start3A_981 = arith.constant 0 : i32
      %dma_start3A_982 = arith.constant 0 : i32
      %dma_start3A_983 = tpu.memref_slice %arg3[%dma_start3A_981, %dma_start3A_982] : memref<1000000x64xf32, #tpu.memory_space<hbm>> -> memref<1000000x64xf32, #tpu.memory_space<hbm>>
      %dma_start3A_984 = tpu.memref_slice %arg7[%dma_start3A_973] : memref<8x!tpu.dma_semaphore, #tpu.memory_space<semaphore_mem>> -> memref<1x!tpu.dma_semaphore, #tpu.memory_space<semaphore_mem>>
      %dma_start3A_985 = tpu.memref_squeeze %dma_start3A_984 : memref<1x!tpu.dma_semaphore, #tpu.memory_space<semaphore_mem>> -> memref<!tpu.dma_semaphore, #tpu.memory_space<semaphore_mem>>
      tpu.enqueue_indirect_dma source(%dma_start3A_983 : memref<1000000x64xf32, #tpu.memory_space<hbm>>) target(%dma_start3A_977 : memref<128x64xf32, #tpu.memory_space<vmem>>) offsets(%dma_start3A_980 : memref<128xi32, #tpu.memory_space<vmem>>) semaphore(%dma_start3A_985 : memref<!tpu.dma_semaphore, #tpu.memory_space<semaphore_mem>>)
      %dma_wait3A_986 = arith.constant 3 : i32
      %dma_wait3A_987 = arith.constant 3 : i32
      %dma_wait3A_988 = arith.constant 0 : i32
      %dma_wait3A_989 = arith.constant 0 : i32
      %dma_wait3A_990 = tpu.memref_slice %arg6[%dma_wait3A_986, %dma_wait3A_988, %dma_wait3A_989] : memref<8x128x64xf32, #tpu.memory_space<vmem>> -> memref<1x128x64xf32, #tpu.memory_space<vmem>>
      %dma_wait3A_991 = tpu.memref_squeeze %dma_wait3A_990 : memref<1x128x64xf32, #tpu.memory_space<vmem>> -> memref<128x64xf32, #tpu.memory_space<vmem>>
      %dma_wait3A_992 = arith.constant 0 : i32
      %dma_wait3A_993 = arith.constant 0 : i32
      %dma_wait3A_994 = tpu.memref_slice %arg3[%dma_wait3A_992, %dma_wait3A_993] : memref<1000000x64xf32, #tpu.memory_space<hbm>> -> memref<128x64xf32, #tpu.memory_space<hbm>>
      %dma_wait3A_995 = tpu.memref_slice %arg8[%dma_wait3A_987] : memref<8x!tpu.dma_semaphore, #tpu.memory_space<semaphore_mem>> -> memref<1x!tpu.dma_semaphore, #tpu.memory_space<semaphore_mem>>
      %dma_wait3A_996 = tpu.memref_squeeze %dma_wait3A_995 : memref<1x!tpu.dma_semaphore, #tpu.memory_space<semaphore_mem>> -> memref<!tpu.dma_semaphore, #tpu.memory_space<semaphore_mem>>
      %dma_wait3A_997 = arith.constant 0 : i32
      %dma_wait3A_998 = arith.constant 0 : i32
      %dma_wait3A_999 = tpu.memref_slice %arg6[%dma_wait3A_986, %dma_wait3A_997, %dma_wait3A_998] : memref<8x128x64xf32, #tpu.memory_space<vmem>> -> memref<1x128x64xf32, #tpu.memory_space<vmem>>
      %dma_wait3A_1000 = tpu.memref_squeeze %dma_wait3A_999 : memref<1x128x64xf32, #tpu.memory_space<vmem>> -> memref<128x64xf32, #tpu.memory_space<vmem>>
      %dma_wait3A_1001 = arith.constant 0 : i32
      %dma_wait3A_1002 = arith.constant 0 : i32
      %dma_wait3A_1003 = tpu.memref_slice %arg3[%dma_wait3A_1001, %dma_wait3A_1002] : memref<1000000x64xf32, #tpu.memory_space<hbm>> -> memref<128x64xf32, #tpu.memory_space<hbm>>
      tpu.wait_dma2 semaphore(%dma_wait3A_996 : memref<!tpu.dma_semaphore, #tpu.memory_space<semaphore_mem>>) src(%dma_wait3A_1003 : memref<128x64xf32, #tpu.memory_space<hbm>>) dst(%dma_wait3A_1000 : memref<128x64xf32, #tpu.memory_space<vmem>>)
      %add3A_1004 = arith.constant 8 : i32
      %add3A_1005 = arith.addi %mul3A_565, %add3A_1004 : i32
      %add3A_1006 = arith.constant 3 : i32
      %add3A_1007 = arith.addi %add3A_1005, %add3A_1006 : i32
      %dma_start3A_1008 = arith.constant 3 : i32
      %dma_start3A_1009 = arith.constant 3 : i32
      %dma_start3A_1010 = arith.constant 0 : i32
      %dma_start3A_1011 = arith.constant 0 : i32
      %dma_start3A_1012 = tpu.memref_slice %arg6[%dma_start3A_1008, %dma_start3A_1010, %dma_start3A_1011] : memref<8x128x64xf32, #tpu.memory_space<vmem>> -> memref<1x128x64xf32, #tpu.memory_space<vmem>>
      %dma_start3A_1013 = tpu.memref_squeeze %dma_start3A_1012 : memref<1x128x64xf32, #tpu.memory_space<vmem>> -> memref<128x64xf32, #tpu.memory_space<vmem>>
      %dma_start3A_1014 = arith.constant 0 : i32
      %dma_start3A_1015 = tpu.memref_slice %arg5[%add3A_1007, %dma_start3A_1014] : memref<200x128xi32, #tpu.memory_space<vmem>> -> memref<1x128xi32, #tpu.memory_space<vmem>>
      %dma_start3A_1016 = tpu.memref_squeeze %dma_start3A_1015 : memref<1x128xi32, #tpu.memory_space<vmem>> -> memref<128xi32, #tpu.memory_space<vmem>>
      %dma_start3A_1017 = arith.constant 0 : i32
      %dma_start3A_1018 = arith.constant 0 : i32
      %dma_start3A_1019 = tpu.memref_slice %arg3[%dma_start3A_1017, %dma_start3A_1018] : memref<1000000x64xf32, #tpu.memory_space<hbm>> -> memref<1000000x64xf32, #tpu.memory_space<hbm>>
      %dma_start3A_1020 = tpu.memref_slice %arg7[%dma_start3A_1009] : memref<8x!tpu.dma_semaphore, #tpu.memory_space<semaphore_mem>> -> memref<1x!tpu.dma_semaphore, #tpu.memory_space<semaphore_mem>>
      %dma_start3A_1021 = tpu.memref_squeeze %dma_start3A_1020 : memref<1x!tpu.dma_semaphore, #tpu.memory_space<semaphore_mem>> -> memref<!tpu.dma_semaphore, #tpu.memory_space<semaphore_mem>>
      tpu.enqueue_indirect_dma source(%dma_start3A_1019 : memref<1000000x64xf32, #tpu.memory_space<hbm>>) target(%dma_start3A_1013 : memref<128x64xf32, #tpu.memory_space<vmem>>) offsets(%dma_start3A_1016 : memref<128xi32, #tpu.memory_space<vmem>>) semaphore(%dma_start3A_1021 : memref<!tpu.dma_semaphore, #tpu.memory_space<semaphore_mem>>)
      %dma_wait3A_1022 = arith.constant 4 : i32
      %dma_wait3A_1023 = arith.constant 4 : i32
      %dma_wait3A_1024 = arith.constant 0 : i32
      %dma_wait3A_1025 = arith.constant 0 : i32
      %dma_wait3A_1026 = tpu.memref_slice %arg6[%dma_wait3A_1022, %dma_wait3A_1024, %dma_wait3A_1025] : memref<8x128x64xf32, #tpu.memory_space<vmem>> -> memref<1x128x64xf32, #tpu.memory_space<vmem>>
      %dma_wait3A_1027 = tpu.memref_squeeze %dma_wait3A_1026 : memref<1x128x64xf32, #tpu.memory_space<vmem>> -> memref<128x64xf32, #tpu.memory_space<vmem>>
      %dma_wait3A_1028 = arith.constant 0 : i32
      %dma_wait3A_1029 = arith.constant 0 : i32
      %dma_wait3A_1030 = tpu.memref_slice %arg3[%dma_wait3A_1028, %dma_wait3A_1029] : memref<1000000x64xf32, #tpu.memory_space<hbm>> -> memref<128x64xf32, #tpu.memory_space<hbm>>
      %dma_wait3A_1031 = tpu.memref_slice %arg8[%dma_wait3A_1023] : memref<8x!tpu.dma_semaphore, #tpu.memory_space<semaphore_mem>> -> memref<1x!tpu.dma_semaphore, #tpu.memory_space<semaphore_mem>>
      %dma_wait3A_1032 = tpu.memref_squeeze %dma_wait3A_1031 : memref<1x!tpu.dma_semaphore, #tpu.memory_space<semaphore_mem>> -> memref<!tpu.dma_semaphore, #tpu.memory_space<semaphore_mem>>
      %dma_wait3A_1033 = arith.constant 0 : i32
      %dma_wait3A_1034 = arith.constant 0 : i32
      %dma_wait3A_1035 = tpu.memref_slice %arg6[%dma_wait3A_1022, %dma_wait3A_1033, %dma_wait3A_1034] : memref<8x128x64xf32, #tpu.memory_space<vmem>> -> memref<1x128x64xf32, #tpu.memory_space<vmem>>
      %dma_wait3A_1036 = tpu.memref_squeeze %dma_wait3A_1035 : memref<1x128x64xf32, #tpu.memory_space<vmem>> -> memref<128x64xf32, #tpu.memory_space<vmem>>
      %dma_wait3A_1037 = arith.constant 0 : i32
      %dma_wait3A_1038 = arith.constant 0 : i32
      %dma_wait3A_1039 = tpu.memref_slice %arg3[%dma_wait3A_1037, %dma_wait3A_1038] : memref<1000000x64xf32, #tpu.memory_space<hbm>> -> memref<128x64xf32, #tpu.memory_space<hbm>>
      tpu.wait_dma2 semaphore(%dma_wait3A_1032 : memref<!tpu.dma_semaphore, #tpu.memory_space<semaphore_mem>>) src(%dma_wait3A_1039 : memref<128x64xf32, #tpu.memory_space<hbm>>) dst(%dma_wait3A_1036 : memref<128x64xf32, #tpu.memory_space<vmem>>)
      %add3A_1040 = arith.constant 8 : i32
      %add3A_1041 = arith.addi %mul3A_565, %add3A_1040 : i32
      %add3A_1042 = arith.constant 4 : i32
      %add3A_1043 = arith.addi %add3A_1041, %add3A_1042 : i32
      %dma_start3A_1044 = arith.constant 4 : i32
      %dma_start3A_1045 = arith.constant 4 : i32
      %dma_start3A_1046 = arith.constant 0 : i32
      %dma_start3A_1047 = arith.constant 0 : i32
      %dma_start3A_1048 = tpu.memref_slice %arg6[%dma_start3A_1044, %dma_start3A_1046, %dma_start3A_1047] : memref<8x128x64xf32, #tpu.memory_space<vmem>> -> memref<1x128x64xf32, #tpu.memory_space<vmem>>
      %dma_start3A_1049 = tpu.memref_squeeze %dma_start3A_1048 : memref<1x128x64xf32, #tpu.memory_space<vmem>> -> memref<128x64xf32, #tpu.memory_space<vmem>>
      %dma_start3A_1050 = arith.constant 0 : i32
      %dma_start3A_1051 = tpu.memref_slice %arg5[%add3A_1043, %dma_start3A_1050] : memref<200x128xi32, #tpu.memory_space<vmem>> -> memref<1x128xi32, #tpu.memory_space<vmem>>
      %dma_start3A_1052 = tpu.memref_squeeze %dma_start3A_1051 : memref<1x128xi32, #tpu.memory_space<vmem>> -> memref<128xi32, #tpu.memory_space<vmem>>
      %dma_start3A_1053 = arith.constant 0 : i32
      %dma_start3A_1054 = arith.constant 0 : i32
      %dma_start3A_1055 = tpu.memref_slice %arg3[%dma_start3A_1053, %dma_start3A_1054] : memref<1000000x64xf32, #tpu.memory_space<hbm>> -> memref<1000000x64xf32, #tpu.memory_space<hbm>>
      %dma_start3A_1056 = tpu.memref_slice %arg7[%dma_start3A_1045] : memref<8x!tpu.dma_semaphore, #tpu.memory_space<semaphore_mem>> -> memref<1x!tpu.dma_semaphore, #tpu.memory_space<semaphore_mem>>
      %dma_start3A_1057 = tpu.memref_squeeze %dma_start3A_1056 : memref<1x!tpu.dma_semaphore, #tpu.memory_space<semaphore_mem>> -> memref<!tpu.dma_semaphore, #tpu.memory_space<semaphore_mem>>
      tpu.enqueue_indirect_dma source(%dma_start3A_1055 : memref<1000000x64xf32, #tpu.memory_space<hbm>>) target(%dma_start3A_1049 : memref<128x64xf32, #tpu.memory_space<vmem>>) offsets(%dma_start3A_1052 : memref<128xi32, #tpu.memory_space<vmem>>) semaphore(%dma_start3A_1057 : memref<!tpu.dma_semaphore, #tpu.memory_space<semaphore_mem>>)
      %dma_wait3A_1058 = arith.constant 5 : i32
      %dma_wait3A_1059 = arith.constant 5 : i32
      %dma_wait3A_1060 = arith.constant 0 : i32
      %dma_wait3A_1061 = arith.constant 0 : i32
      %dma_wait3A_1062 = tpu.memref_slice %arg6[%dma_wait3A_1058, %dma_wait3A_1060, %dma_wait3A_1061] : memref<8x128x64xf32, #tpu.memory_space<vmem>> -> memref<1x128x64xf32, #tpu.memory_space<vmem>>
      %dma_wait3A_1063 = tpu.memref_squeeze %dma_wait3A_1062 : memref<1x128x64xf32, #tpu.memory_space<vmem>> -> memref<128x64xf32, #tpu.memory_space<vmem>>
      %dma_wait3A_1064 = arith.constant 0 : i32
      %dma_wait3A_1065 = arith.constant 0 : i32
      %dma_wait3A_1066 = tpu.memref_slice %arg3[%dma_wait3A_1064, %dma_wait3A_1065] : memref<1000000x64xf32, #tpu.memory_space<hbm>> -> memref<128x64xf32, #tpu.memory_space<hbm>>
      %dma_wait3A_1067 = tpu.memref_slice %arg8[%dma_wait3A_1059] : memref<8x!tpu.dma_semaphore, #tpu.memory_space<semaphore_mem>> -> memref<1x!tpu.dma_semaphore, #tpu.memory_space<semaphore_mem>>
      %dma_wait3A_1068 = tpu.memref_squeeze %dma_wait3A_1067 : memref<1x!tpu.dma_semaphore, #tpu.memory_space<semaphore_mem>> -> memref<!tpu.dma_semaphore, #tpu.memory_space<semaphore_mem>>
      %dma_wait3A_1069 = arith.constant 0 : i32
      %dma_wait3A_1070 = arith.constant 0 : i32
      %dma_wait3A_1071 = tpu.memref_slice %arg6[%dma_wait3A_1058, %dma_wait3A_1069, %dma_wait3A_1070] : memref<8x128x64xf32, #tpu.memory_space<vmem>> -> memref<1x128x64xf32, #tpu.memory_space<vmem>>
      %dma_wait3A_1072 = tpu.memref_squeeze %dma_wait3A_1071 : memref<1x128x64xf32, #tpu.memory_space<vmem>> -> memref<128x64xf32, #tpu.memory_space<vmem>>
      %dma_wait3A_1073 = arith.constant 0 : i32
      %dma_wait3A_1074 = arith.constant 0 : i32
      %dma_wait3A_1075 = tpu.memref_slice %arg3[%dma_wait3A_1073, %dma_wait3A_1074] : memref<1000000x64xf32, #tpu.memory_space<hbm>> -> memref<128x64xf32, #tpu.memory_space<hbm>>
      tpu.wait_dma2 semaphore(%dma_wait3A_1068 : memref<!tpu.dma_semaphore, #tpu.memory_space<semaphore_mem>>) src(%dma_wait3A_1075 : memref<128x64xf32, #tpu.memory_space<hbm>>) dst(%dma_wait3A_1072 : memref<128x64xf32, #tpu.memory_space<vmem>>)
      %add3A_1076 = arith.constant 8 : i32
      %add3A_1077 = arith.addi %mul3A_565, %add3A_1076 : i32
      %add3A_1078 = arith.constant 5 : i32
      %add3A_1079 = arith.addi %add3A_1077, %add3A_1078 : i32
      %dma_start3A_1080 = arith.constant 5 : i32
      %dma_start3A_1081 = arith.constant 5 : i32
      %dma_start3A_1082 = arith.constant 0 : i32
      %dma_start3A_1083 = arith.constant 0 : i32
      %dma_start3A_1084 = tpu.memref_slice %arg6[%dma_start3A_1080, %dma_start3A_1082, %dma_start3A_1083] : memref<8x128x64xf32, #tpu.memory_space<vmem>> -> memref<1x128x64xf32, #tpu.memory_space<vmem>>
      %dma_start3A_1085 = tpu.memref_squeeze %dma_start3A_1084 : memref<1x128x64xf32, #tpu.memory_space<vmem>> -> memref<128x64xf32, #tpu.memory_space<vmem>>
      %dma_start3A_1086 = arith.constant 0 : i32
      %dma_start3A_1087 = tpu.memref_slice %arg5[%add3A_1079, %dma_start3A_1086] : memref<200x128xi32, #tpu.memory_space<vmem>> -> memref<1x128xi32, #tpu.memory_space<vmem>>
      %dma_start3A_1088 = tpu.memref_squeeze %dma_start3A_1087 : memref<1x128xi32, #tpu.memory_space<vmem>> -> memref<128xi32, #tpu.memory_space<vmem>>
      %dma_start3A_1089 = arith.constant 0 : i32
      %dma_start3A_1090 = arith.constant 0 : i32
      %dma_start3A_1091 = tpu.memref_slice %arg3[%dma_start3A_1089, %dma_start3A_1090] : memref<1000000x64xf32, #tpu.memory_space<hbm>> -> memref<1000000x64xf32, #tpu.memory_space<hbm>>
      %dma_start3A_1092 = tpu.memref_slice %arg7[%dma_start3A_1081] : memref<8x!tpu.dma_semaphore, #tpu.memory_space<semaphore_mem>> -> memref<1x!tpu.dma_semaphore, #tpu.memory_space<semaphore_mem>>
      %dma_start3A_1093 = tpu.memref_squeeze %dma_start3A_1092 : memref<1x!tpu.dma_semaphore, #tpu.memory_space<semaphore_mem>> -> memref<!tpu.dma_semaphore, #tpu.memory_space<semaphore_mem>>
      tpu.enqueue_indirect_dma source(%dma_start3A_1091 : memref<1000000x64xf32, #tpu.memory_space<hbm>>) target(%dma_start3A_1085 : memref<128x64xf32, #tpu.memory_space<vmem>>) offsets(%dma_start3A_1088 : memref<128xi32, #tpu.memory_space<vmem>>) semaphore(%dma_start3A_1093 : memref<!tpu.dma_semaphore, #tpu.memory_space<semaphore_mem>>)
      %dma_wait3A_1094 = arith.constant 6 : i32
      %dma_wait3A_1095 = arith.constant 6 : i32
      %dma_wait3A_1096 = arith.constant 0 : i32
      %dma_wait3A_1097 = arith.constant 0 : i32
      %dma_wait3A_1098 = tpu.memref_slice %arg6[%dma_wait3A_1094, %dma_wait3A_1096, %dma_wait3A_1097] : memref<8x128x64xf32, #tpu.memory_space<vmem>> -> memref<1x128x64xf32, #tpu.memory_space<vmem>>
      %dma_wait3A_1099 = tpu.memref_squeeze %dma_wait3A_1098 : memref<1x128x64xf32, #tpu.memory_space<vmem>> -> memref<128x64xf32, #tpu.memory_space<vmem>>
      %dma_wait3A_1100 = arith.constant 0 : i32
      %dma_wait3A_1101 = arith.constant 0 : i32
      %dma_wait3A_1102 = tpu.memref_slice %arg3[%dma_wait3A_1100, %dma_wait3A_1101] : memref<1000000x64xf32, #tpu.memory_space<hbm>> -> memref<128x64xf32, #tpu.memory_space<hbm>>
      %dma_wait3A_1103 = tpu.memref_slice %arg8[%dma_wait3A_1095] : memref<8x!tpu.dma_semaphore, #tpu.memory_space<semaphore_mem>> -> memref<1x!tpu.dma_semaphore, #tpu.memory_space<semaphore_mem>>
      %dma_wait3A_1104 = tpu.memref_squeeze %dma_wait3A_1103 : memref<1x!tpu.dma_semaphore, #tpu.memory_space<semaphore_mem>> -> memref<!tpu.dma_semaphore, #tpu.memory_space<semaphore_mem>>
      %dma_wait3A_1105 = arith.constant 0 : i32
      %dma_wait3A_1106 = arith.constant 0 : i32
      %dma_wait3A_1107 = tpu.memref_slice %arg6[%dma_wait3A_1094, %dma_wait3A_1105, %dma_wait3A_1106] : memref<8x128x64xf32, #tpu.memory_space<vmem>> -> memref<1x128x64xf32, #tpu.memory_space<vmem>>
      %dma_wait3A_1108 = tpu.memref_squeeze %dma_wait3A_1107 : memref<1x128x64xf32, #tpu.memory_space<vmem>> -> memref<128x64xf32, #tpu.memory_space<vmem>>
      %dma_wait3A_1109 = arith.constant 0 : i32
      %dma_wait3A_1110 = arith.constant 0 : i32
      %dma_wait3A_1111 = tpu.memref_slice %arg3[%dma_wait3A_1109, %dma_wait3A_1110] : memref<1000000x64xf32, #tpu.memory_space<hbm>> -> memref<128x64xf32, #tpu.memory_space<hbm>>
      tpu.wait_dma2 semaphore(%dma_wait3A_1104 : memref<!tpu.dma_semaphore, #tpu.memory_space<semaphore_mem>>) src(%dma_wait3A_1111 : memref<128x64xf32, #tpu.memory_space<hbm>>) dst(%dma_wait3A_1108 : memref<128x64xf32, #tpu.memory_space<vmem>>)
      %add3A_1112 = arith.constant 8 : i32
      %add3A_1113 = arith.addi %mul3A_565, %add3A_1112 : i32
      %add3A_1114 = arith.constant 6 : i32
      %add3A_1115 = arith.addi %add3A_1113, %add3A_1114 : i32
      %dma_start3A_1116 = arith.constant 6 : i32
      %dma_start3A_1117 = arith.constant 6 : i32
      %dma_start3A_1118 = arith.constant 0 : i32
      %dma_start3A_1119 = arith.constant 0 : i32
      %dma_start3A_1120 = tpu.memref_slice %arg6[%dma_start3A_1116, %dma_start3A_1118, %dma_start3A_1119] : memref<8x128x64xf32, #tpu.memory_space<vmem>> -> memref<1x128x64xf32, #tpu.memory_space<vmem>>
      %dma_start3A_1121 = tpu.memref_squeeze %dma_start3A_1120 : memref<1x128x64xf32, #tpu.memory_space<vmem>> -> memref<128x64xf32, #tpu.memory_space<vmem>>
      %dma_start3A_1122 = arith.constant 0 : i32
      %dma_start3A_1123 = tpu.memref_slice %arg5[%add3A_1115, %dma_start3A_1122] : memref<200x128xi32, #tpu.memory_space<vmem>> -> memref<1x128xi32, #tpu.memory_space<vmem>>
      %dma_start3A_1124 = tpu.memref_squeeze %dma_start3A_1123 : memref<1x128xi32, #tpu.memory_space<vmem>> -> memref<128xi32, #tpu.memory_space<vmem>>
      %dma_start3A_1125 = arith.constant 0 : i32
      %dma_start3A_1126 = arith.constant 0 : i32
      %dma_start3A_1127 = tpu.memref_slice %arg3[%dma_start3A_1125, %dma_start3A_1126] : memref<1000000x64xf32, #tpu.memory_space<hbm>> -> memref<1000000x64xf32, #tpu.memory_space<hbm>>
      %dma_start3A_1128 = tpu.memref_slice %arg7[%dma_start3A_1117] : memref<8x!tpu.dma_semaphore, #tpu.memory_space<semaphore_mem>> -> memref<1x!tpu.dma_semaphore, #tpu.memory_space<semaphore_mem>>
      %dma_start3A_1129 = tpu.memref_squeeze %dma_start3A_1128 : memref<1x!tpu.dma_semaphore, #tpu.memory_space<semaphore_mem>> -> memref<!tpu.dma_semaphore, #tpu.memory_space<semaphore_mem>>
      tpu.enqueue_indirect_dma source(%dma_start3A_1127 : memref<1000000x64xf32, #tpu.memory_space<hbm>>) target(%dma_start3A_1121 : memref<128x64xf32, #tpu.memory_space<vmem>>) offsets(%dma_start3A_1124 : memref<128xi32, #tpu.memory_space<vmem>>) semaphore(%dma_start3A_1129 : memref<!tpu.dma_semaphore, #tpu.memory_space<semaphore_mem>>)
      %dma_wait3A_1130 = arith.constant 7 : i32
      %dma_wait3A_1131 = arith.constant 7 : i32
      %dma_wait3A_1132 = arith.constant 0 : i32
      %dma_wait3A_1133 = arith.constant 0 : i32
      %dma_wait3A_1134 = tpu.memref_slice %arg6[%dma_wait3A_1130, %dma_wait3A_1132, %dma_wait3A_1133] : memref<8x128x64xf32, #tpu.memory_space<vmem>> -> memref<1x128x64xf32, #tpu.memory_space<vmem>>
      %dma_wait3A_1135 = tpu.memref_squeeze %dma_wait3A_1134 : memref<1x128x64xf32, #tpu.memory_space<vmem>> -> memref<128x64xf32, #tpu.memory_space<vmem>>
      %dma_wait3A_1136 = arith.constant 0 : i32
      %dma_wait3A_1137 = arith.constant 0 : i32
      %dma_wait3A_1138 = tpu.memref_slice %arg3[%dma_wait3A_1136, %dma_wait3A_1137] : memref<1000000x64xf32, #tpu.memory_space<hbm>> -> memref<128x64xf32, #tpu.memory_space<hbm>>
      %dma_wait3A_1139 = tpu.memref_slice %arg8[%dma_wait3A_1131] : memref<8x!tpu.dma_semaphore, #tpu.memory_space<semaphore_mem>> -> memref<1x!tpu.dma_semaphore, #tpu.memory_space<semaphore_mem>>
      %dma_wait3A_1140 = tpu.memref_squeeze %dma_wait3A_1139 : memref<1x!tpu.dma_semaphore, #tpu.memory_space<semaphore_mem>> -> memref<!tpu.dma_semaphore, #tpu.memory_space<semaphore_mem>>
      %dma_wait3A_1141 = arith.constant 0 : i32
      %dma_wait3A_1142 = arith.constant 0 : i32
      %dma_wait3A_1143 = tpu.memref_slice %arg6[%dma_wait3A_1130, %dma_wait3A_1141, %dma_wait3A_1142] : memref<8x128x64xf32, #tpu.memory_space<vmem>> -> memref<1x128x64xf32, #tpu.memory_space<vmem>>
      %dma_wait3A_1144 = tpu.memref_squeeze %dma_wait3A_1143 : memref<1x128x64xf32, #tpu.memory_space<vmem>> -> memref<128x64xf32, #tpu.memory_space<vmem>>
      %dma_wait3A_1145 = arith.constant 0 : i32
      %dma_wait3A_1146 = arith.constant 0 : i32
      %dma_wait3A_1147 = tpu.memref_slice %arg3[%dma_wait3A_1145, %dma_wait3A_1146] : memref<1000000x64xf32, #tpu.memory_space<hbm>> -> memref<128x64xf32, #tpu.memory_space<hbm>>
      tpu.wait_dma2 semaphore(%dma_wait3A_1140 : memref<!tpu.dma_semaphore, #tpu.memory_space<semaphore_mem>>) src(%dma_wait3A_1147 : memref<128x64xf32, #tpu.memory_space<hbm>>) dst(%dma_wait3A_1144 : memref<128x64xf32, #tpu.memory_space<vmem>>)
      %add3A_1148 = arith.constant 8 : i32
      %add3A_1149 = arith.addi %mul3A_565, %add3A_1148 : i32
      %add3A_1150 = arith.constant 7 : i32
      %add3A_1151 = arith.addi %add3A_1149, %add3A_1150 : i32
      %dma_start3A_1152 = arith.constant 7 : i32
      %dma_start3A_1153 = arith.constant 7 : i32
      %dma_start3A_1154 = arith.constant 0 : i32
      %dma_start3A_1155 = arith.constant 0 : i32
      %dma_start3A_1156 = tpu.memref_slice %arg6[%dma_start3A_1152, %dma_start3A_1154, %dma_start3A_1155] : memref<8x128x64xf32, #tpu.memory_space<vmem>> -> memref<1x128x64xf32, #tpu.memory_space<vmem>>
      %dma_start3A_1157 = tpu.memref_squeeze %dma_start3A_1156 : memref<1x128x64xf32, #tpu.memory_space<vmem>> -> memref<128x64xf32, #tpu.memory_space<vmem>>
      %dma_start3A_1158 = arith.constant 0 : i32
      %dma_start3A_1159 = tpu.memref_slice %arg5[%add3A_1151, %dma_start3A_1158] : memref<200x128xi32, #tpu.memory_space<vmem>> -> memref<1x128xi32, #tpu.memory_space<vmem>>
      %dma_start3A_1160 = tpu.memref_squeeze %dma_start3A_1159 : memref<1x128xi32, #tpu.memory_space<vmem>> -> memref<128xi32, #tpu.memory_space<vmem>>
      %dma_start3A_1161 = arith.constant 0 : i32
      %dma_start3A_1162 = arith.constant 0 : i32
      %dma_start3A_1163 = tpu.memref_slice %arg3[%dma_start3A_1161, %dma_start3A_1162] : memref<1000000x64xf32, #tpu.memory_space<hbm>> -> memref<1000000x64xf32, #tpu.memory_space<hbm>>
      %dma_start3A_1164 = tpu.memref_slice %arg7[%dma_start3A_1153] : memref<8x!tpu.dma_semaphore, #tpu.memory_space<semaphore_mem>> -> memref<1x!tpu.dma_semaphore, #tpu.memory_space<semaphore_mem>>
      %dma_start3A_1165 = tpu.memref_squeeze %dma_start3A_1164 : memref<1x!tpu.dma_semaphore, #tpu.memory_space<semaphore_mem>> -> memref<!tpu.dma_semaphore, #tpu.memory_space<semaphore_mem>>
      tpu.enqueue_indirect_dma source(%dma_start3A_1163 : memref<1000000x64xf32, #tpu.memory_space<hbm>>) target(%dma_start3A_1157 : memref<128x64xf32, #tpu.memory_space<vmem>>) offsets(%dma_start3A_1160 : memref<128xi32, #tpu.memory_space<vmem>>) semaphore(%dma_start3A_1165 : memref<!tpu.dma_semaphore, #tpu.memory_space<semaphore_mem>>)
    }
    %scan3A_127 = arith.constant 24 : i32
    %dma_wait3A = arith.constant 0 : i32
    %dma_wait3A_128 = arith.constant 0 : i32
    %dma_wait3A_129 = arith.constant 0 : i32
    %dma_wait3A_130 = arith.constant 0 : i32
    %dma_wait3A_131 = tpu.memref_slice %arg6[%dma_wait3A, %dma_wait3A_129, %dma_wait3A_130] : memref<8x128x64xf32, #tpu.memory_space<vmem>> -> memref<1x128x64xf32, #tpu.memory_space<vmem>>
    %dma_wait3A_132 = tpu.memref_squeeze %dma_wait3A_131 : memref<1x128x64xf32, #tpu.memory_space<vmem>> -> memref<128x64xf32, #tpu.memory_space<vmem>>
    %dma_wait3A_133 = arith.constant 0 : i32
    %dma_wait3A_134 = arith.constant 0 : i32
    %dma_wait3A_135 = tpu.memref_slice %arg3[%dma_wait3A_133, %dma_wait3A_134] : memref<1000000x64xf32, #tpu.memory_space<hbm>> -> memref<128x64xf32, #tpu.memory_space<hbm>>
    %dma_wait3A_136 = tpu.memref_slice %arg7[%dma_wait3A_128] : memref<8x!tpu.dma_semaphore, #tpu.memory_space<semaphore_mem>> -> memref<1x!tpu.dma_semaphore, #tpu.memory_space<semaphore_mem>>
    %dma_wait3A_137 = tpu.memref_squeeze %dma_wait3A_136 : memref<1x!tpu.dma_semaphore, #tpu.memory_space<semaphore_mem>> -> memref<!tpu.dma_semaphore, #tpu.memory_space<semaphore_mem>>
    %dma_wait3A_138 = arith.constant 0 : i32
    %dma_wait3A_139 = arith.constant 0 : i32
    %dma_wait3A_140 = tpu.memref_slice %arg6[%dma_wait3A, %dma_wait3A_138, %dma_wait3A_139] : memref<8x128x64xf32, #tpu.memory_space<vmem>> -> memref<1x128x64xf32, #tpu.memory_space<vmem>>
    %dma_wait3A_141 = tpu.memref_squeeze %dma_wait3A_140 : memref<1x128x64xf32, #tpu.memory_space<vmem>> -> memref<128x64xf32, #tpu.memory_space<vmem>>
    %dma_wait3A_142 = arith.constant 0 : i32
    %dma_wait3A_143 = arith.constant 0 : i32
    %dma_wait3A_144 = tpu.memref_slice %arg3[%dma_wait3A_142, %dma_wait3A_143] : memref<1000000x64xf32, #tpu.memory_space<hbm>> -> memref<128x64xf32, #tpu.memory_space<hbm>>
    tpu.wait_dma2 semaphore(%dma_wait3A_137 : memref<!tpu.dma_semaphore, #tpu.memory_space<semaphore_mem>>) src(%dma_wait3A_144 : memref<128x64xf32, #tpu.memory_space<hbm>>) dst(%dma_wait3A_141 : memref<128x64xf32, #tpu.memory_space<vmem>>)
    %add3A_145 = arith.constant 24576 : i32
    %add3A_146 = arith.addi %mul3A_4, %add3A_145 : i32
    %dma_start3A_147 = arith.constant 0 : i32
    %dma_start3A_148 = arith.constant 0 : i32
    %dma_start3A_149 = arith.constant 0 : i32
    %dma_start3A_150 = arith.constant 0 : i32
    %dma_start3A_151 = tpu.memref_slice %arg6[%dma_start3A_147, %dma_start3A_149, %dma_start3A_150] : memref<8x128x64xf32, #tpu.memory_space<vmem>> -> memref<1x128x64xf32, #tpu.memory_space<vmem>>
    %dma_start3A_152 = tpu.memref_squeeze %dma_start3A_151 : memref<1x128x64xf32, #tpu.memory_space<vmem>> -> memref<128x64xf32, #tpu.memory_space<vmem>>
    %dma_start3A_153 = arith.constant 0 : i32
    %dma_start3A_154 = tpu.memref_slice %arg4[%add3A_146, %dma_start3A_153] : memref<819200x64xf32, #tpu.memory_space<hbm>> -> memref<128x64xf32, #tpu.memory_space<hbm>>
    %dma_start3A_155 = tpu.memref_slice %arg8[%dma_start3A_148] : memref<8x!tpu.dma_semaphore, #tpu.memory_space<semaphore_mem>> -> memref<1x!tpu.dma_semaphore, #tpu.memory_space<semaphore_mem>>
    %dma_start3A_156 = tpu.memref_squeeze %dma_start3A_155 : memref<1x!tpu.dma_semaphore, #tpu.memory_space<semaphore_mem>> -> memref<!tpu.dma_semaphore, #tpu.memory_space<semaphore_mem>>
    %dma_start3A_157 = arith.constant 0 : i32
    %dma_start3A_158 = tpu.memref_slice %arg4[%add3A_146, %dma_start3A_157] : memref<819200x64xf32, #tpu.memory_space<hbm>> -> memref<128x64xf32, #tpu.memory_space<hbm>>
    %dma_start3A_159 = arith.constant 0 : i32
    %dma_start3A_160 = arith.constant 0 : i32
    %dma_start3A_161 = tpu.memref_slice %arg6[%dma_start3A_147, %dma_start3A_159, %dma_start3A_160] : memref<8x128x64xf32, #tpu.memory_space<vmem>> -> memref<1x128x64xf32, #tpu.memory_space<vmem>>
    %dma_start3A_162 = tpu.memref_squeeze %dma_start3A_161 : memref<1x128x64xf32, #tpu.memory_space<vmem>> -> memref<128x64xf32, #tpu.memory_space<vmem>>
    tpu.enqueue_dma source(%dma_start3A_162 : memref<128x64xf32, #tpu.memory_space<vmem>>) target(%dma_start3A_158 : memref<128x64xf32, #tpu.memory_space<hbm>>) target_semaphore(%dma_start3A_156 : memref<!tpu.dma_semaphore, #tpu.memory_space<semaphore_mem>>)
    %dma_wait3A_163 = arith.constant 1 : i32
    %dma_wait3A_164 = arith.constant 1 : i32
    %dma_wait3A_165 = arith.constant 0 : i32
    %dma_wait3A_166 = arith.constant 0 : i32
    %dma_wait3A_167 = tpu.memref_slice %arg6[%dma_wait3A_163, %dma_wait3A_165, %dma_wait3A_166] : memref<8x128x64xf32, #tpu.memory_space<vmem>> -> memref<1x128x64xf32, #tpu.memory_space<vmem>>
    %dma_wait3A_168 = tpu.memref_squeeze %dma_wait3A_167 : memref<1x128x64xf32, #tpu.memory_space<vmem>> -> memref<128x64xf32, #tpu.memory_space<vmem>>
    %dma_wait3A_169 = arith.constant 0 : i32
    %dma_wait3A_170 = arith.constant 0 : i32
    %dma_wait3A_171 = tpu.memref_slice %arg3[%dma_wait3A_169, %dma_wait3A_170] : memref<1000000x64xf32, #tpu.memory_space<hbm>> -> memref<128x64xf32, #tpu.memory_space<hbm>>
    %dma_wait3A_172 = tpu.memref_slice %arg7[%dma_wait3A_164] : memref<8x!tpu.dma_semaphore, #tpu.memory_space<semaphore_mem>> -> memref<1x!tpu.dma_semaphore, #tpu.memory_space<semaphore_mem>>
    %dma_wait3A_173 = tpu.memref_squeeze %dma_wait3A_172 : memref<1x!tpu.dma_semaphore, #tpu.memory_space<semaphore_mem>> -> memref<!tpu.dma_semaphore, #tpu.memory_space<semaphore_mem>>
    %dma_wait3A_174 = arith.constant 0 : i32
    %dma_wait3A_175 = arith.constant 0 : i32
    %dma_wait3A_176 = tpu.memref_slice %arg6[%dma_wait3A_163, %dma_wait3A_174, %dma_wait3A_175] : memref<8x128x64xf32, #tpu.memory_space<vmem>> -> memref<1x128x64xf32, #tpu.memory_space<vmem>>
    %dma_wait3A_177 = tpu.memref_squeeze %dma_wait3A_176 : memref<1x128x64xf32, #tpu.memory_space<vmem>> -> memref<128x64xf32, #tpu.memory_space<vmem>>
    %dma_wait3A_178 = arith.constant 0 : i32
    %dma_wait3A_179 = arith.constant 0 : i32
    %dma_wait3A_180 = tpu.memref_slice %arg3[%dma_wait3A_178, %dma_wait3A_179] : memref<1000000x64xf32, #tpu.memory_space<hbm>> -> memref<128x64xf32, #tpu.memory_space<hbm>>
    tpu.wait_dma2 semaphore(%dma_wait3A_173 : memref<!tpu.dma_semaphore, #tpu.memory_space<semaphore_mem>>) src(%dma_wait3A_180 : memref<128x64xf32, #tpu.memory_space<hbm>>) dst(%dma_wait3A_177 : memref<128x64xf32, #tpu.memory_space<vmem>>)
    %add3A_181 = arith.constant 24704 : i32
    %add3A_182 = arith.addi %mul3A_4, %add3A_181 : i32
    %dma_start3A_183 = arith.constant 1 : i32
    %dma_start3A_184 = arith.constant 1 : i32
    %dma_start3A_185 = arith.constant 0 : i32
    %dma_start3A_186 = arith.constant 0 : i32
    %dma_start3A_187 = tpu.memref_slice %arg6[%dma_start3A_183, %dma_start3A_185, %dma_start3A_186] : memref<8x128x64xf32, #tpu.memory_space<vmem>> -> memref<1x128x64xf32, #tpu.memory_space<vmem>>
    %dma_start3A_188 = tpu.memref_squeeze %dma_start3A_187 : memref<1x128x64xf32, #tpu.memory_space<vmem>> -> memref<128x64xf32, #tpu.memory_space<vmem>>
    %dma_start3A_189 = arith.constant 0 : i32
    %dma_start3A_190 = tpu.memref_slice %arg4[%add3A_182, %dma_start3A_189] : memref<819200x64xf32, #tpu.memory_space<hbm>> -> memref<128x64xf32, #tpu.memory_space<hbm>>
    %dma_start3A_191 = tpu.memref_slice %arg8[%dma_start3A_184] : memref<8x!tpu.dma_semaphore, #tpu.memory_space<semaphore_mem>> -> memref<1x!tpu.dma_semaphore, #tpu.memory_space<semaphore_mem>>
    %dma_start3A_192 = tpu.memref_squeeze %dma_start3A_191 : memref<1x!tpu.dma_semaphore, #tpu.memory_space<semaphore_mem>> -> memref<!tpu.dma_semaphore, #tpu.memory_space<semaphore_mem>>
    %dma_start3A_193 = arith.constant 0 : i32
    %dma_start3A_194 = tpu.memref_slice %arg4[%add3A_182, %dma_start3A_193] : memref<819200x64xf32, #tpu.memory_space<hbm>> -> memref<128x64xf32, #tpu.memory_space<hbm>>
    %dma_start3A_195 = arith.constant 0 : i32
    %dma_start3A_196 = arith.constant 0 : i32
    %dma_start3A_197 = tpu.memref_slice %arg6[%dma_start3A_183, %dma_start3A_195, %dma_start3A_196] : memref<8x128x64xf32, #tpu.memory_space<vmem>> -> memref<1x128x64xf32, #tpu.memory_space<vmem>>
    %dma_start3A_198 = tpu.memref_squeeze %dma_start3A_197 : memref<1x128x64xf32, #tpu.memory_space<vmem>> -> memref<128x64xf32, #tpu.memory_space<vmem>>
    tpu.enqueue_dma source(%dma_start3A_198 : memref<128x64xf32, #tpu.memory_space<vmem>>) target(%dma_start3A_194 : memref<128x64xf32, #tpu.memory_space<hbm>>) target_semaphore(%dma_start3A_192 : memref<!tpu.dma_semaphore, #tpu.memory_space<semaphore_mem>>)
    %dma_wait3A_199 = arith.constant 2 : i32
    %dma_wait3A_200 = arith.constant 2 : i32
    %dma_wait3A_201 = arith.constant 0 : i32
    %dma_wait3A_202 = arith.constant 0 : i32
    %dma_wait3A_203 = tpu.memref_slice %arg6[%dma_wait3A_199, %dma_wait3A_201, %dma_wait3A_202] : memref<8x128x64xf32, #tpu.memory_space<vmem>> -> memref<1x128x64xf32, #tpu.memory_space<vmem>>
    %dma_wait3A_204 = tpu.memref_squeeze %dma_wait3A_203 : memref<1x128x64xf32, #tpu.memory_space<vmem>> -> memref<128x64xf32, #tpu.memory_space<vmem>>
    %dma_wait3A_205 = arith.constant 0 : i32
    %dma_wait3A_206 = arith.constant 0 : i32
    %dma_wait3A_207 = tpu.memref_slice %arg3[%dma_wait3A_205, %dma_wait3A_206] : memref<1000000x64xf32, #tpu.memory_space<hbm>> -> memref<128x64xf32, #tpu.memory_space<hbm>>
    %dma_wait3A_208 = tpu.memref_slice %arg7[%dma_wait3A_200] : memref<8x!tpu.dma_semaphore, #tpu.memory_space<semaphore_mem>> -> memref<1x!tpu.dma_semaphore, #tpu.memory_space<semaphore_mem>>
    %dma_wait3A_209 = tpu.memref_squeeze %dma_wait3A_208 : memref<1x!tpu.dma_semaphore, #tpu.memory_space<semaphore_mem>> -> memref<!tpu.dma_semaphore, #tpu.memory_space<semaphore_mem>>
    %dma_wait3A_210 = arith.constant 0 : i32
    %dma_wait3A_211 = arith.constant 0 : i32
    %dma_wait3A_212 = tpu.memref_slice %arg6[%dma_wait3A_199, %dma_wait3A_210, %dma_wait3A_211] : memref<8x128x64xf32, #tpu.memory_space<vmem>> -> memref<1x128x64xf32, #tpu.memory_space<vmem>>
    %dma_wait3A_213 = tpu.memref_squeeze %dma_wait3A_212 : memref<1x128x64xf32, #tpu.memory_space<vmem>> -> memref<128x64xf32, #tpu.memory_space<vmem>>
    %dma_wait3A_214 = arith.constant 0 : i32
    %dma_wait3A_215 = arith.constant 0 : i32
    %dma_wait3A_216 = tpu.memref_slice %arg3[%dma_wait3A_214, %dma_wait3A_215] : memref<1000000x64xf32, #tpu.memory_space<hbm>> -> memref<128x64xf32, #tpu.memory_space<hbm>>
    tpu.wait_dma2 semaphore(%dma_wait3A_209 : memref<!tpu.dma_semaphore, #tpu.memory_space<semaphore_mem>>) src(%dma_wait3A_216 : memref<128x64xf32, #tpu.memory_space<hbm>>) dst(%dma_wait3A_213 : memref<128x64xf32, #tpu.memory_space<vmem>>)
    %add3A_217 = arith.constant 24832 : i32
    %add3A_218 = arith.addi %mul3A_4, %add3A_217 : i32
    %dma_start3A_219 = arith.constant 2 : i32
    %dma_start3A_220 = arith.constant 2 : i32
    %dma_start3A_221 = arith.constant 0 : i32
    %dma_start3A_222 = arith.constant 0 : i32
    %dma_start3A_223 = tpu.memref_slice %arg6[%dma_start3A_219, %dma_start3A_221, %dma_start3A_222] : memref<8x128x64xf32, #tpu.memory_space<vmem>> -> memref<1x128x64xf32, #tpu.memory_space<vmem>>
    %dma_start3A_224 = tpu.memref_squeeze %dma_start3A_223 : memref<1x128x64xf32, #tpu.memory_space<vmem>> -> memref<128x64xf32, #tpu.memory_space<vmem>>
    %dma_start3A_225 = arith.constant 0 : i32
    %dma_start3A_226 = tpu.memref_slice %arg4[%add3A_218, %dma_start3A_225] : memref<819200x64xf32, #tpu.memory_space<hbm>> -> memref<128x64xf32, #tpu.memory_space<hbm>>
    %dma_start3A_227 = tpu.memref_slice %arg8[%dma_start3A_220] : memref<8x!tpu.dma_semaphore, #tpu.memory_space<semaphore_mem>> -> memref<1x!tpu.dma_semaphore, #tpu.memory_space<semaphore_mem>>
    %dma_start3A_228 = tpu.memref_squeeze %dma_start3A_227 : memref<1x!tpu.dma_semaphore, #tpu.memory_space<semaphore_mem>> -> memref<!tpu.dma_semaphore, #tpu.memory_space<semaphore_mem>>
    %dma_start3A_229 = arith.constant 0 : i32
    %dma_start3A_230 = tpu.memref_slice %arg4[%add3A_218, %dma_start3A_229] : memref<819200x64xf32, #tpu.memory_space<hbm>> -> memref<128x64xf32, #tpu.memory_space<hbm>>
    %dma_start3A_231 = arith.constant 0 : i32
    %dma_start3A_232 = arith.constant 0 : i32
    %dma_start3A_233 = tpu.memref_slice %arg6[%dma_start3A_219, %dma_start3A_231, %dma_start3A_232] : memref<8x128x64xf32, #tpu.memory_space<vmem>> -> memref<1x128x64xf32, #tpu.memory_space<vmem>>
    %dma_start3A_234 = tpu.memref_squeeze %dma_start3A_233 : memref<1x128x64xf32, #tpu.memory_space<vmem>> -> memref<128x64xf32, #tpu.memory_space<vmem>>
    tpu.enqueue_dma source(%dma_start3A_234 : memref<128x64xf32, #tpu.memory_space<vmem>>) target(%dma_start3A_230 : memref<128x64xf32, #tpu.memory_space<hbm>>) target_semaphore(%dma_start3A_228 : memref<!tpu.dma_semaphore, #tpu.memory_space<semaphore_mem>>)
    %dma_wait3A_235 = arith.constant 3 : i32
    %dma_wait3A_236 = arith.constant 3 : i32
    %dma_wait3A_237 = arith.constant 0 : i32
    %dma_wait3A_238 = arith.constant 0 : i32
    %dma_wait3A_239 = tpu.memref_slice %arg6[%dma_wait3A_235, %dma_wait3A_237, %dma_wait3A_238] : memref<8x128x64xf32, #tpu.memory_space<vmem>> -> memref<1x128x64xf32, #tpu.memory_space<vmem>>
    %dma_wait3A_240 = tpu.memref_squeeze %dma_wait3A_239 : memref<1x128x64xf32, #tpu.memory_space<vmem>> -> memref<128x64xf32, #tpu.memory_space<vmem>>
    %dma_wait3A_241 = arith.constant 0 : i32
    %dma_wait3A_242 = arith.constant 0 : i32
    %dma_wait3A_243 = tpu.memref_slice %arg3[%dma_wait3A_241, %dma_wait3A_242] : memref<1000000x64xf32, #tpu.memory_space<hbm>> -> memref<128x64xf32, #tpu.memory_space<hbm>>
    %dma_wait3A_244 = tpu.memref_slice %arg7[%dma_wait3A_236] : memref<8x!tpu.dma_semaphore, #tpu.memory_space<semaphore_mem>> -> memref<1x!tpu.dma_semaphore, #tpu.memory_space<semaphore_mem>>
    %dma_wait3A_245 = tpu.memref_squeeze %dma_wait3A_244 : memref<1x!tpu.dma_semaphore, #tpu.memory_space<semaphore_mem>> -> memref<!tpu.dma_semaphore, #tpu.memory_space<semaphore_mem>>
    %dma_wait3A_246 = arith.constant 0 : i32
    %dma_wait3A_247 = arith.constant 0 : i32
    %dma_wait3A_248 = tpu.memref_slice %arg6[%dma_wait3A_235, %dma_wait3A_246, %dma_wait3A_247] : memref<8x128x64xf32, #tpu.memory_space<vmem>> -> memref<1x128x64xf32, #tpu.memory_space<vmem>>
    %dma_wait3A_249 = tpu.memref_squeeze %dma_wait3A_248 : memref<1x128x64xf32, #tpu.memory_space<vmem>> -> memref<128x64xf32, #tpu.memory_space<vmem>>
    %dma_wait3A_250 = arith.constant 0 : i32
    %dma_wait3A_251 = arith.constant 0 : i32
    %dma_wait3A_252 = tpu.memref_slice %arg3[%dma_wait3A_250, %dma_wait3A_251] : memref<1000000x64xf32, #tpu.memory_space<hbm>> -> memref<128x64xf32, #tpu.memory_space<hbm>>
    tpu.wait_dma2 semaphore(%dma_wait3A_245 : memref<!tpu.dma_semaphore, #tpu.memory_space<semaphore_mem>>) src(%dma_wait3A_252 : memref<128x64xf32, #tpu.memory_space<hbm>>) dst(%dma_wait3A_249 : memref<128x64xf32, #tpu.memory_space<vmem>>)
    %add3A_253 = arith.constant 24960 : i32
    %add3A_254 = arith.addi %mul3A_4, %add3A_253 : i32
    %dma_start3A_255 = arith.constant 3 : i32
    %dma_start3A_256 = arith.constant 3 : i32
    %dma_start3A_257 = arith.constant 0 : i32
    %dma_start3A_258 = arith.constant 0 : i32
    %dma_start3A_259 = tpu.memref_slice %arg6[%dma_start3A_255, %dma_start3A_257, %dma_start3A_258] : memref<8x128x64xf32, #tpu.memory_space<vmem>> -> memref<1x128x64xf32, #tpu.memory_space<vmem>>
    %dma_start3A_260 = tpu.memref_squeeze %dma_start3A_259 : memref<1x128x64xf32, #tpu.memory_space<vmem>> -> memref<128x64xf32, #tpu.memory_space<vmem>>
    %dma_start3A_261 = arith.constant 0 : i32
    %dma_start3A_262 = tpu.memref_slice %arg4[%add3A_254, %dma_start3A_261] : memref<819200x64xf32, #tpu.memory_space<hbm>> -> memref<128x64xf32, #tpu.memory_space<hbm>>
    %dma_start3A_263 = tpu.memref_slice %arg8[%dma_start3A_256] : memref<8x!tpu.dma_semaphore, #tpu.memory_space<semaphore_mem>> -> memref<1x!tpu.dma_semaphore, #tpu.memory_space<semaphore_mem>>
    %dma_start3A_264 = tpu.memref_squeeze %dma_start3A_263 : memref<1x!tpu.dma_semaphore, #tpu.memory_space<semaphore_mem>> -> memref<!tpu.dma_semaphore, #tpu.memory_space<semaphore_mem>>
    %dma_start3A_265 = arith.constant 0 : i32
    %dma_start3A_266 = tpu.memref_slice %arg4[%add3A_254, %dma_start3A_265] : memref<819200x64xf32, #tpu.memory_space<hbm>> -> memref<128x64xf32, #tpu.memory_space<hbm>>
    %dma_start3A_267 = arith.constant 0 : i32
    %dma_start3A_268 = arith.constant 0 : i32
    %dma_start3A_269 = tpu.memref_slice %arg6[%dma_start3A_255, %dma_start3A_267, %dma_start3A_268] : memref<8x128x64xf32, #tpu.memory_space<vmem>> -> memref<1x128x64xf32, #tpu.memory_space<vmem>>
    %dma_start3A_270 = tpu.memref_squeeze %dma_start3A_269 : memref<1x128x64xf32, #tpu.memory_space<vmem>> -> memref<128x64xf32, #tpu.memory_space<vmem>>
    tpu.enqueue_dma source(%dma_start3A_270 : memref<128x64xf32, #tpu.memory_space<vmem>>) target(%dma_start3A_266 : memref<128x64xf32, #tpu.memory_space<hbm>>) target_semaphore(%dma_start3A_264 : memref<!tpu.dma_semaphore, #tpu.memory_space<semaphore_mem>>)
    %dma_wait3A_271 = arith.constant 4 : i32
    %dma_wait3A_272 = arith.constant 4 : i32
    %dma_wait3A_273 = arith.constant 0 : i32
    %dma_wait3A_274 = arith.constant 0 : i32
    %dma_wait3A_275 = tpu.memref_slice %arg6[%dma_wait3A_271, %dma_wait3A_273, %dma_wait3A_274] : memref<8x128x64xf32, #tpu.memory_space<vmem>> -> memref<1x128x64xf32, #tpu.memory_space<vmem>>
    %dma_wait3A_276 = tpu.memref_squeeze %dma_wait3A_275 : memref<1x128x64xf32, #tpu.memory_space<vmem>> -> memref<128x64xf32, #tpu.memory_space<vmem>>
    %dma_wait3A_277 = arith.constant 0 : i32
    %dma_wait3A_278 = arith.constant 0 : i32
    %dma_wait3A_279 = tpu.memref_slice %arg3[%dma_wait3A_277, %dma_wait3A_278] : memref<1000000x64xf32, #tpu.memory_space<hbm>> -> memref<128x64xf32, #tpu.memory_space<hbm>>
    %dma_wait3A_280 = tpu.memref_slice %arg7[%dma_wait3A_272] : memref<8x!tpu.dma_semaphore, #tpu.memory_space<semaphore_mem>> -> memref<1x!tpu.dma_semaphore, #tpu.memory_space<semaphore_mem>>
    %dma_wait3A_281 = tpu.memref_squeeze %dma_wait3A_280 : memref<1x!tpu.dma_semaphore, #tpu.memory_space<semaphore_mem>> -> memref<!tpu.dma_semaphore, #tpu.memory_space<semaphore_mem>>
    %dma_wait3A_282 = arith.constant 0 : i32
    %dma_wait3A_283 = arith.constant 0 : i32
    %dma_wait3A_284 = tpu.memref_slice %arg6[%dma_wait3A_271, %dma_wait3A_282, %dma_wait3A_283] : memref<8x128x64xf32, #tpu.memory_space<vmem>> -> memref<1x128x64xf32, #tpu.memory_space<vmem>>
    %dma_wait3A_285 = tpu.memref_squeeze %dma_wait3A_284 : memref<1x128x64xf32, #tpu.memory_space<vmem>> -> memref<128x64xf32, #tpu.memory_space<vmem>>
    %dma_wait3A_286 = arith.constant 0 : i32
    %dma_wait3A_287 = arith.constant 0 : i32
    %dma_wait3A_288 = tpu.memref_slice %arg3[%dma_wait3A_286, %dma_wait3A_287] : memref<1000000x64xf32, #tpu.memory_space<hbm>> -> memref<128x64xf32, #tpu.memory_space<hbm>>
    tpu.wait_dma2 semaphore(%dma_wait3A_281 : memref<!tpu.dma_semaphore, #tpu.memory_space<semaphore_mem>>) src(%dma_wait3A_288 : memref<128x64xf32, #tpu.memory_space<hbm>>) dst(%dma_wait3A_285 : memref<128x64xf32, #tpu.memory_space<vmem>>)
    %add3A_289 = arith.constant 25088 : i32
    %add3A_290 = arith.addi %mul3A_4, %add3A_289 : i32
    %dma_start3A_291 = arith.constant 4 : i32
    %dma_start3A_292 = arith.constant 4 : i32
    %dma_start3A_293 = arith.constant 0 : i32
    %dma_start3A_294 = arith.constant 0 : i32
    %dma_start3A_295 = tpu.memref_slice %arg6[%dma_start3A_291, %dma_start3A_293, %dma_start3A_294] : memref<8x128x64xf32, #tpu.memory_space<vmem>> -> memref<1x128x64xf32, #tpu.memory_space<vmem>>
    %dma_start3A_296 = tpu.memref_squeeze %dma_start3A_295 : memref<1x128x64xf32, #tpu.memory_space<vmem>> -> memref<128x64xf32, #tpu.memory_space<vmem>>
    %dma_start3A_297 = arith.constant 0 : i32
    %dma_start3A_298 = tpu.memref_slice %arg4[%add3A_290, %dma_start3A_297] : memref<819200x64xf32, #tpu.memory_space<hbm>> -> memref<128x64xf32, #tpu.memory_space<hbm>>
    %dma_start3A_299 = tpu.memref_slice %arg8[%dma_start3A_292] : memref<8x!tpu.dma_semaphore, #tpu.memory_space<semaphore_mem>> -> memref<1x!tpu.dma_semaphore, #tpu.memory_space<semaphore_mem>>
    %dma_start3A_300 = tpu.memref_squeeze %dma_start3A_299 : memref<1x!tpu.dma_semaphore, #tpu.memory_space<semaphore_mem>> -> memref<!tpu.dma_semaphore, #tpu.memory_space<semaphore_mem>>
    %dma_start3A_301 = arith.constant 0 : i32
    %dma_start3A_302 = tpu.memref_slice %arg4[%add3A_290, %dma_start3A_301] : memref<819200x64xf32, #tpu.memory_space<hbm>> -> memref<128x64xf32, #tpu.memory_space<hbm>>
    %dma_start3A_303 = arith.constant 0 : i32
    %dma_start3A_304 = arith.constant 0 : i32
    %dma_start3A_305 = tpu.memref_slice %arg6[%dma_start3A_291, %dma_start3A_303, %dma_start3A_304] : memref<8x128x64xf32, #tpu.memory_space<vmem>> -> memref<1x128x64xf32, #tpu.memory_space<vmem>>
    %dma_start3A_306 = tpu.memref_squeeze %dma_start3A_305 : memref<1x128x64xf32, #tpu.memory_space<vmem>> -> memref<128x64xf32, #tpu.memory_space<vmem>>
    tpu.enqueue_dma source(%dma_start3A_306 : memref<128x64xf32, #tpu.memory_space<vmem>>) target(%dma_start3A_302 : memref<128x64xf32, #tpu.memory_space<hbm>>) target_semaphore(%dma_start3A_300 : memref<!tpu.dma_semaphore, #tpu.memory_space<semaphore_mem>>)
    %dma_wait3A_307 = arith.constant 5 : i32
    %dma_wait3A_308 = arith.constant 5 : i32
    %dma_wait3A_309 = arith.constant 0 : i32
    %dma_wait3A_310 = arith.constant 0 : i32
    %dma_wait3A_311 = tpu.memref_slice %arg6[%dma_wait3A_307, %dma_wait3A_309, %dma_wait3A_310] : memref<8x128x64xf32, #tpu.memory_space<vmem>> -> memref<1x128x64xf32, #tpu.memory_space<vmem>>
    %dma_wait3A_312 = tpu.memref_squeeze %dma_wait3A_311 : memref<1x128x64xf32, #tpu.memory_space<vmem>> -> memref<128x64xf32, #tpu.memory_space<vmem>>
    %dma_wait3A_313 = arith.constant 0 : i32
    %dma_wait3A_314 = arith.constant 0 : i32
    %dma_wait3A_315 = tpu.memref_slice %arg3[%dma_wait3A_313, %dma_wait3A_314] : memref<1000000x64xf32, #tpu.memory_space<hbm>> -> memref<128x64xf32, #tpu.memory_space<hbm>>
    %dma_wait3A_316 = tpu.memref_slice %arg7[%dma_wait3A_308] : memref<8x!tpu.dma_semaphore, #tpu.memory_space<semaphore_mem>> -> memref<1x!tpu.dma_semaphore, #tpu.memory_space<semaphore_mem>>
    %dma_wait3A_317 = tpu.memref_squeeze %dma_wait3A_316 : memref<1x!tpu.dma_semaphore, #tpu.memory_space<semaphore_mem>> -> memref<!tpu.dma_semaphore, #tpu.memory_space<semaphore_mem>>
    %dma_wait3A_318 = arith.constant 0 : i32
    %dma_wait3A_319 = arith.constant 0 : i32
    %dma_wait3A_320 = tpu.memref_slice %arg6[%dma_wait3A_307, %dma_wait3A_318, %dma_wait3A_319] : memref<8x128x64xf32, #tpu.memory_space<vmem>> -> memref<1x128x64xf32, #tpu.memory_space<vmem>>
    %dma_wait3A_321 = tpu.memref_squeeze %dma_wait3A_320 : memref<1x128x64xf32, #tpu.memory_space<vmem>> -> memref<128x64xf32, #tpu.memory_space<vmem>>
    %dma_wait3A_322 = arith.constant 0 : i32
    %dma_wait3A_323 = arith.constant 0 : i32
    %dma_wait3A_324 = tpu.memref_slice %arg3[%dma_wait3A_322, %dma_wait3A_323] : memref<1000000x64xf32, #tpu.memory_space<hbm>> -> memref<128x64xf32, #tpu.memory_space<hbm>>
    tpu.wait_dma2 semaphore(%dma_wait3A_317 : memref<!tpu.dma_semaphore, #tpu.memory_space<semaphore_mem>>) src(%dma_wait3A_324 : memref<128x64xf32, #tpu.memory_space<hbm>>) dst(%dma_wait3A_321 : memref<128x64xf32, #tpu.memory_space<vmem>>)
    %add3A_325 = arith.constant 25216 : i32
    %add3A_326 = arith.addi %mul3A_4, %add3A_325 : i32
    %dma_start3A_327 = arith.constant 5 : i32
    %dma_start3A_328 = arith.constant 5 : i32
    %dma_start3A_329 = arith.constant 0 : i32
    %dma_start3A_330 = arith.constant 0 : i32
    %dma_start3A_331 = tpu.memref_slice %arg6[%dma_start3A_327, %dma_start3A_329, %dma_start3A_330] : memref<8x128x64xf32, #tpu.memory_space<vmem>> -> memref<1x128x64xf32, #tpu.memory_space<vmem>>
    %dma_start3A_332 = tpu.memref_squeeze %dma_start3A_331 : memref<1x128x64xf32, #tpu.memory_space<vmem>> -> memref<128x64xf32, #tpu.memory_space<vmem>>
    %dma_start3A_333 = arith.constant 0 : i32
    %dma_start3A_334 = tpu.memref_slice %arg4[%add3A_326, %dma_start3A_333] : memref<819200x64xf32, #tpu.memory_space<hbm>> -> memref<128x64xf32, #tpu.memory_space<hbm>>
    %dma_start3A_335 = tpu.memref_slice %arg8[%dma_start3A_328] : memref<8x!tpu.dma_semaphore, #tpu.memory_space<semaphore_mem>> -> memref<1x!tpu.dma_semaphore, #tpu.memory_space<semaphore_mem>>
    %dma_start3A_336 = tpu.memref_squeeze %dma_start3A_335 : memref<1x!tpu.dma_semaphore, #tpu.memory_space<semaphore_mem>> -> memref<!tpu.dma_semaphore, #tpu.memory_space<semaphore_mem>>
    %dma_start3A_337 = arith.constant 0 : i32
    %dma_start3A_338 = tpu.memref_slice %arg4[%add3A_326, %dma_start3A_337] : memref<819200x64xf32, #tpu.memory_space<hbm>> -> memref<128x64xf32, #tpu.memory_space<hbm>>
    %dma_start3A_339 = arith.constant 0 : i32
    %dma_start3A_340 = arith.constant 0 : i32
    %dma_start3A_341 = tpu.memref_slice %arg6[%dma_start3A_327, %dma_start3A_339, %dma_start3A_340] : memref<8x128x64xf32, #tpu.memory_space<vmem>> -> memref<1x128x64xf32, #tpu.memory_space<vmem>>
    %dma_start3A_342 = tpu.memref_squeeze %dma_start3A_341 : memref<1x128x64xf32, #tpu.memory_space<vmem>> -> memref<128x64xf32, #tpu.memory_space<vmem>>
    tpu.enqueue_dma source(%dma_start3A_342 : memref<128x64xf32, #tpu.memory_space<vmem>>) target(%dma_start3A_338 : memref<128x64xf32, #tpu.memory_space<hbm>>) target_semaphore(%dma_start3A_336 : memref<!tpu.dma_semaphore, #tpu.memory_space<semaphore_mem>>)
    %dma_wait3A_343 = arith.constant 6 : i32
    %dma_wait3A_344 = arith.constant 6 : i32
    %dma_wait3A_345 = arith.constant 0 : i32
    %dma_wait3A_346 = arith.constant 0 : i32
    %dma_wait3A_347 = tpu.memref_slice %arg6[%dma_wait3A_343, %dma_wait3A_345, %dma_wait3A_346] : memref<8x128x64xf32, #tpu.memory_space<vmem>> -> memref<1x128x64xf32, #tpu.memory_space<vmem>>
    %dma_wait3A_348 = tpu.memref_squeeze %dma_wait3A_347 : memref<1x128x64xf32, #tpu.memory_space<vmem>> -> memref<128x64xf32, #tpu.memory_space<vmem>>
    %dma_wait3A_349 = arith.constant 0 : i32
    %dma_wait3A_350 = arith.constant 0 : i32
    %dma_wait3A_351 = tpu.memref_slice %arg3[%dma_wait3A_349, %dma_wait3A_350] : memref<1000000x64xf32, #tpu.memory_space<hbm>> -> memref<128x64xf32, #tpu.memory_space<hbm>>
    %dma_wait3A_352 = tpu.memref_slice %arg7[%dma_wait3A_344] : memref<8x!tpu.dma_semaphore, #tpu.memory_space<semaphore_mem>> -> memref<1x!tpu.dma_semaphore, #tpu.memory_space<semaphore_mem>>
    %dma_wait3A_353 = tpu.memref_squeeze %dma_wait3A_352 : memref<1x!tpu.dma_semaphore, #tpu.memory_space<semaphore_mem>> -> memref<!tpu.dma_semaphore, #tpu.memory_space<semaphore_mem>>
    %dma_wait3A_354 = arith.constant 0 : i32
    %dma_wait3A_355 = arith.constant 0 : i32
    %dma_wait3A_356 = tpu.memref_slice %arg6[%dma_wait3A_343, %dma_wait3A_354, %dma_wait3A_355] : memref<8x128x64xf32, #tpu.memory_space<vmem>> -> memref<1x128x64xf32, #tpu.memory_space<vmem>>
    %dma_wait3A_357 = tpu.memref_squeeze %dma_wait3A_356 : memref<1x128x64xf32, #tpu.memory_space<vmem>> -> memref<128x64xf32, #tpu.memory_space<vmem>>
    %dma_wait3A_358 = arith.constant 0 : i32
    %dma_wait3A_359 = arith.constant 0 : i32
    %dma_wait3A_360 = tpu.memref_slice %arg3[%dma_wait3A_358, %dma_wait3A_359] : memref<1000000x64xf32, #tpu.memory_space<hbm>> -> memref<128x64xf32, #tpu.memory_space<hbm>>
    tpu.wait_dma2 semaphore(%dma_wait3A_353 : memref<!tpu.dma_semaphore, #tpu.memory_space<semaphore_mem>>) src(%dma_wait3A_360 : memref<128x64xf32, #tpu.memory_space<hbm>>) dst(%dma_wait3A_357 : memref<128x64xf32, #tpu.memory_space<vmem>>)
    %add3A_361 = arith.constant 25344 : i32
    %add3A_362 = arith.addi %mul3A_4, %add3A_361 : i32
    %dma_start3A_363 = arith.constant 6 : i32
    %dma_start3A_364 = arith.constant 6 : i32
    %dma_start3A_365 = arith.constant 0 : i32
    %dma_start3A_366 = arith.constant 0 : i32
    %dma_start3A_367 = tpu.memref_slice %arg6[%dma_start3A_363, %dma_start3A_365, %dma_start3A_366] : memref<8x128x64xf32, #tpu.memory_space<vmem>> -> memref<1x128x64xf32, #tpu.memory_space<vmem>>
    %dma_start3A_368 = tpu.memref_squeeze %dma_start3A_367 : memref<1x128x64xf32, #tpu.memory_space<vmem>> -> memref<128x64xf32, #tpu.memory_space<vmem>>
    %dma_start3A_369 = arith.constant 0 : i32
    %dma_start3A_370 = tpu.memref_slice %arg4[%add3A_362, %dma_start3A_369] : memref<819200x64xf32, #tpu.memory_space<hbm>> -> memref<128x64xf32, #tpu.memory_space<hbm>>
    %dma_start3A_371 = tpu.memref_slice %arg8[%dma_start3A_364] : memref<8x!tpu.dma_semaphore, #tpu.memory_space<semaphore_mem>> -> memref<1x!tpu.dma_semaphore, #tpu.memory_space<semaphore_mem>>
    %dma_start3A_372 = tpu.memref_squeeze %dma_start3A_371 : memref<1x!tpu.dma_semaphore, #tpu.memory_space<semaphore_mem>> -> memref<!tpu.dma_semaphore, #tpu.memory_space<semaphore_mem>>
    %dma_start3A_373 = arith.constant 0 : i32
    %dma_start3A_374 = tpu.memref_slice %arg4[%add3A_362, %dma_start3A_373] : memref<819200x64xf32, #tpu.memory_space<hbm>> -> memref<128x64xf32, #tpu.memory_space<hbm>>
    %dma_start3A_375 = arith.constant 0 : i32
    %dma_start3A_376 = arith.constant 0 : i32
    %dma_start3A_377 = tpu.memref_slice %arg6[%dma_start3A_363, %dma_start3A_375, %dma_start3A_376] : memref<8x128x64xf32, #tpu.memory_space<vmem>> -> memref<1x128x64xf32, #tpu.memory_space<vmem>>
    %dma_start3A_378 = tpu.memref_squeeze %dma_start3A_377 : memref<1x128x64xf32, #tpu.memory_space<vmem>> -> memref<128x64xf32, #tpu.memory_space<vmem>>
    tpu.enqueue_dma source(%dma_start3A_378 : memref<128x64xf32, #tpu.memory_space<vmem>>) target(%dma_start3A_374 : memref<128x64xf32, #tpu.memory_space<hbm>>) target_semaphore(%dma_start3A_372 : memref<!tpu.dma_semaphore, #tpu.memory_space<semaphore_mem>>)
    %dma_wait3A_379 = arith.constant 7 : i32
    %dma_wait3A_380 = arith.constant 7 : i32
    %dma_wait3A_381 = arith.constant 0 : i32
    %dma_wait3A_382 = arith.constant 0 : i32
    %dma_wait3A_383 = tpu.memref_slice %arg6[%dma_wait3A_379, %dma_wait3A_381, %dma_wait3A_382] : memref<8x128x64xf32, #tpu.memory_space<vmem>> -> memref<1x128x64xf32, #tpu.memory_space<vmem>>
    %dma_wait3A_384 = tpu.memref_squeeze %dma_wait3A_383 : memref<1x128x64xf32, #tpu.memory_space<vmem>> -> memref<128x64xf32, #tpu.memory_space<vmem>>
    %dma_wait3A_385 = arith.constant 0 : i32
    %dma_wait3A_386 = arith.constant 0 : i32
    %dma_wait3A_387 = tpu.memref_slice %arg3[%dma_wait3A_385, %dma_wait3A_386] : memref<1000000x64xf32, #tpu.memory_space<hbm>> -> memref<128x64xf32, #tpu.memory_space<hbm>>
    %dma_wait3A_388 = tpu.memref_slice %arg7[%dma_wait3A_380] : memref<8x!tpu.dma_semaphore, #tpu.memory_space<semaphore_mem>> -> memref<1x!tpu.dma_semaphore, #tpu.memory_space<semaphore_mem>>
    %dma_wait3A_389 = tpu.memref_squeeze %dma_wait3A_388 : memref<1x!tpu.dma_semaphore, #tpu.memory_space<semaphore_mem>> -> memref<!tpu.dma_semaphore, #tpu.memory_space<semaphore_mem>>
    %dma_wait3A_390 = arith.constant 0 : i32
    %dma_wait3A_391 = arith.constant 0 : i32
    %dma_wait3A_392 = tpu.memref_slice %arg6[%dma_wait3A_379, %dma_wait3A_390, %dma_wait3A_391] : memref<8x128x64xf32, #tpu.memory_space<vmem>> -> memref<1x128x64xf32, #tpu.memory_space<vmem>>
    %dma_wait3A_393 = tpu.memref_squeeze %dma_wait3A_392 : memref<1x128x64xf32, #tpu.memory_space<vmem>> -> memref<128x64xf32, #tpu.memory_space<vmem>>
    %dma_wait3A_394 = arith.constant 0 : i32
    %dma_wait3A_395 = arith.constant 0 : i32
    %dma_wait3A_396 = tpu.memref_slice %arg3[%dma_wait3A_394, %dma_wait3A_395] : memref<1000000x64xf32, #tpu.memory_space<hbm>> -> memref<128x64xf32, #tpu.memory_space<hbm>>
    tpu.wait_dma2 semaphore(%dma_wait3A_389 : memref<!tpu.dma_semaphore, #tpu.memory_space<semaphore_mem>>) src(%dma_wait3A_396 : memref<128x64xf32, #tpu.memory_space<hbm>>) dst(%dma_wait3A_393 : memref<128x64xf32, #tpu.memory_space<vmem>>)
    %add3A_397 = arith.constant 25472 : i32
    %add3A_398 = arith.addi %mul3A_4, %add3A_397 : i32
    %dma_start3A_399 = arith.constant 7 : i32
    %dma_start3A_400 = arith.constant 7 : i32
    %dma_start3A_401 = arith.constant 0 : i32
    %dma_start3A_402 = arith.constant 0 : i32
    %dma_start3A_403 = tpu.memref_slice %arg6[%dma_start3A_399, %dma_start3A_401, %dma_start3A_402] : memref<8x128x64xf32, #tpu.memory_space<vmem>> -> memref<1x128x64xf32, #tpu.memory_space<vmem>>
    %dma_start3A_404 = tpu.memref_squeeze %dma_start3A_403 : memref<1x128x64xf32, #tpu.memory_space<vmem>> -> memref<128x64xf32, #tpu.memory_space<vmem>>
    %dma_start3A_405 = arith.constant 0 : i32
    %dma_start3A_406 = tpu.memref_slice %arg4[%add3A_398, %dma_start3A_405] : memref<819200x64xf32, #tpu.memory_space<hbm>> -> memref<128x64xf32, #tpu.memory_space<hbm>>
    %dma_start3A_407 = tpu.memref_slice %arg8[%dma_start3A_400] : memref<8x!tpu.dma_semaphore, #tpu.memory_space<semaphore_mem>> -> memref<1x!tpu.dma_semaphore, #tpu.memory_space<semaphore_mem>>
    %dma_start3A_408 = tpu.memref_squeeze %dma_start3A_407 : memref<1x!tpu.dma_semaphore, #tpu.memory_space<semaphore_mem>> -> memref<!tpu.dma_semaphore, #tpu.memory_space<semaphore_mem>>
    %dma_start3A_409 = arith.constant 0 : i32
    %dma_start3A_410 = tpu.memref_slice %arg4[%add3A_398, %dma_start3A_409] : memref<819200x64xf32, #tpu.memory_space<hbm>> -> memref<128x64xf32, #tpu.memory_space<hbm>>
    %dma_start3A_411 = arith.constant 0 : i32
    %dma_start3A_412 = arith.constant 0 : i32
    %dma_start3A_413 = tpu.memref_slice %arg6[%dma_start3A_399, %dma_start3A_411, %dma_start3A_412] : memref<8x128x64xf32, #tpu.memory_space<vmem>> -> memref<1x128x64xf32, #tpu.memory_space<vmem>>
    %dma_start3A_414 = tpu.memref_squeeze %dma_start3A_413 : memref<1x128x64xf32, #tpu.memory_space<vmem>> -> memref<128x64xf32, #tpu.memory_space<vmem>>
    tpu.enqueue_dma source(%dma_start3A_414 : memref<128x64xf32, #tpu.memory_space<vmem>>) target(%dma_start3A_410 : memref<128x64xf32, #tpu.memory_space<hbm>>) target_semaphore(%dma_start3A_408 : memref<!tpu.dma_semaphore, #tpu.memory_space<semaphore_mem>>)
    %dma_wait3A_415 = arith.constant 0 : i32
    %dma_wait3A_416 = arith.constant 0 : i32
    %dma_wait3A_417 = arith.constant 0 : i32
    %dma_wait3A_418 = arith.constant 0 : i32
    %dma_wait3A_419 = tpu.memref_slice %arg6[%dma_wait3A_415, %dma_wait3A_417, %dma_wait3A_418] : memref<8x128x64xf32, #tpu.memory_space<vmem>> -> memref<1x128x64xf32, #tpu.memory_space<vmem>>
    %dma_wait3A_420 = tpu.memref_squeeze %dma_wait3A_419 : memref<1x128x64xf32, #tpu.memory_space<vmem>> -> memref<128x64xf32, #tpu.memory_space<vmem>>
    %dma_wait3A_421 = arith.constant 0 : i32
    %dma_wait3A_422 = arith.constant 0 : i32
    %dma_wait3A_423 = tpu.memref_slice %arg3[%dma_wait3A_421, %dma_wait3A_422] : memref<1000000x64xf32, #tpu.memory_space<hbm>> -> memref<128x64xf32, #tpu.memory_space<hbm>>
    %dma_wait3A_424 = tpu.memref_slice %arg8[%dma_wait3A_416] : memref<8x!tpu.dma_semaphore, #tpu.memory_space<semaphore_mem>> -> memref<1x!tpu.dma_semaphore, #tpu.memory_space<semaphore_mem>>
    %dma_wait3A_425 = tpu.memref_squeeze %dma_wait3A_424 : memref<1x!tpu.dma_semaphore, #tpu.memory_space<semaphore_mem>> -> memref<!tpu.dma_semaphore, #tpu.memory_space<semaphore_mem>>
    %dma_wait3A_426 = arith.constant 0 : i32
    %dma_wait3A_427 = arith.constant 0 : i32
    %dma_wait3A_428 = tpu.memref_slice %arg6[%dma_wait3A_415, %dma_wait3A_426, %dma_wait3A_427] : memref<8x128x64xf32, #tpu.memory_space<vmem>> -> memref<1x128x64xf32, #tpu.memory_space<vmem>>
    %dma_wait3A_429 = tpu.memref_squeeze %dma_wait3A_428 : memref<1x128x64xf32, #tpu.memory_space<vmem>> -> memref<128x64xf32, #tpu.memory_space<vmem>>
    %dma_wait3A_430 = arith.constant 0 : i32
    %dma_wait3A_431 = arith.constant 0 : i32
    %dma_wait3A_432 = tpu.memref_slice %arg3[%dma_wait3A_430, %dma_wait3A_431] : memref<1000000x64xf32, #tpu.memory_space<hbm>> -> memref<128x64xf32, #tpu.memory_space<hbm>>
    tpu.wait_dma2 semaphore(%dma_wait3A_425 : memref<!tpu.dma_semaphore, #tpu.memory_space<semaphore_mem>>) src(%dma_wait3A_432 : memref<128x64xf32, #tpu.memory_space<hbm>>) dst(%dma_wait3A_429 : memref<128x64xf32, #tpu.memory_space<vmem>>)
    %dma_wait3A_433 = arith.constant 1 : i32
    %dma_wait3A_434 = arith.constant 1 : i32
    %dma_wait3A_435 = arith.constant 0 : i32
    %dma_wait3A_436 = arith.constant 0 : i32
    %dma_wait3A_437 = tpu.memref_slice %arg6[%dma_wait3A_433, %dma_wait3A_435, %dma_wait3A_436] : memref<8x128x64xf32, #tpu.memory_space<vmem>> -> memref<1x128x64xf32, #tpu.memory_space<vmem>>
    %dma_wait3A_438 = tpu.memref_squeeze %dma_wait3A_437 : memref<1x128x64xf32, #tpu.memory_space<vmem>> -> memref<128x64xf32, #tpu.memory_space<vmem>>
    %dma_wait3A_439 = arith.constant 0 : i32
    %dma_wait3A_440 = arith.constant 0 : i32
    %dma_wait3A_441 = tpu.memref_slice %arg3[%dma_wait3A_439, %dma_wait3A_440] : memref<1000000x64xf32, #tpu.memory_space<hbm>> -> memref<128x64xf32, #tpu.memory_space<hbm>>
    %dma_wait3A_442 = tpu.memref_slice %arg8[%dma_wait3A_434] : memref<8x!tpu.dma_semaphore, #tpu.memory_space<semaphore_mem>> -> memref<1x!tpu.dma_semaphore, #tpu.memory_space<semaphore_mem>>
    %dma_wait3A_443 = tpu.memref_squeeze %dma_wait3A_442 : memref<1x!tpu.dma_semaphore, #tpu.memory_space<semaphore_mem>> -> memref<!tpu.dma_semaphore, #tpu.memory_space<semaphore_mem>>
    %dma_wait3A_444 = arith.constant 0 : i32
    %dma_wait3A_445 = arith.constant 0 : i32
    %dma_wait3A_446 = tpu.memref_slice %arg6[%dma_wait3A_433, %dma_wait3A_444, %dma_wait3A_445] : memref<8x128x64xf32, #tpu.memory_space<vmem>> -> memref<1x128x64xf32, #tpu.memory_space<vmem>>
    %dma_wait3A_447 = tpu.memref_squeeze %dma_wait3A_446 : memref<1x128x64xf32, #tpu.memory_space<vmem>> -> memref<128x64xf32, #tpu.memory_space<vmem>>
    %dma_wait3A_448 = arith.constant 0 : i32
    %dma_wait3A_449 = arith.constant 0 : i32
    %dma_wait3A_450 = tpu.memref_slice %arg3[%dma_wait3A_448, %dma_wait3A_449] : memref<1000000x64xf32, #tpu.memory_space<hbm>> -> memref<128x64xf32, #tpu.memory_space<hbm>>
    tpu.wait_dma2 semaphore(%dma_wait3A_443 : memref<!tpu.dma_semaphore, #tpu.memory_space<semaphore_mem>>) src(%dma_wait3A_450 : memref<128x64xf32, #tpu.memory_space<hbm>>) dst(%dma_wait3A_447 : memref<128x64xf32, #tpu.memory_space<vmem>>)
    %dma_wait3A_451 = arith.constant 2 : i32
    %dma_wait3A_452 = arith.constant 2 : i32
    %dma_wait3A_453 = arith.constant 0 : i32
    %dma_wait3A_454 = arith.constant 0 : i32
    %dma_wait3A_455 = tpu.memref_slice %arg6[%dma_wait3A_451, %dma_wait3A_453, %dma_wait3A_454] : memref<8x128x64xf32, #tpu.memory_space<vmem>> -> memref<1x128x64xf32, #tpu.memory_space<vmem>>
    %dma_wait3A_456 = tpu.memref_squeeze %dma_wait3A_455 : memref<1x128x64xf32, #tpu.memory_space<vmem>> -> memref<128x64xf32, #tpu.memory_space<vmem>>
    %dma_wait3A_457 = arith.constant 0 : i32
    %dma_wait3A_458 = arith.constant 0 : i32
    %dma_wait3A_459 = tpu.memref_slice %arg3[%dma_wait3A_457, %dma_wait3A_458] : memref<1000000x64xf32, #tpu.memory_space<hbm>> -> memref<128x64xf32, #tpu.memory_space<hbm>>
    %dma_wait3A_460 = tpu.memref_slice %arg8[%dma_wait3A_452] : memref<8x!tpu.dma_semaphore, #tpu.memory_space<semaphore_mem>> -> memref<1x!tpu.dma_semaphore, #tpu.memory_space<semaphore_mem>>
    %dma_wait3A_461 = tpu.memref_squeeze %dma_wait3A_460 : memref<1x!tpu.dma_semaphore, #tpu.memory_space<semaphore_mem>> -> memref<!tpu.dma_semaphore, #tpu.memory_space<semaphore_mem>>
    %dma_wait3A_462 = arith.constant 0 : i32
    %dma_wait3A_463 = arith.constant 0 : i32
    %dma_wait3A_464 = tpu.memref_slice %arg6[%dma_wait3A_451, %dma_wait3A_462, %dma_wait3A_463] : memref<8x128x64xf32, #tpu.memory_space<vmem>> -> memref<1x128x64xf32, #tpu.memory_space<vmem>>
    %dma_wait3A_465 = tpu.memref_squeeze %dma_wait3A_464 : memref<1x128x64xf32, #tpu.memory_space<vmem>> -> memref<128x64xf32, #tpu.memory_space<vmem>>
    %dma_wait3A_466 = arith.constant 0 : i32
    %dma_wait3A_467 = arith.constant 0 : i32
    %dma_wait3A_468 = tpu.memref_slice %arg3[%dma_wait3A_466, %dma_wait3A_467] : memref<1000000x64xf32, #tpu.memory_space<hbm>> -> memref<128x64xf32, #tpu.memory_space<hbm>>
    tpu.wait_dma2 semaphore(%dma_wait3A_461 : memref<!tpu.dma_semaphore, #tpu.memory_space<semaphore_mem>>) src(%dma_wait3A_468 : memref<128x64xf32, #tpu.memory_space<hbm>>) dst(%dma_wait3A_465 : memref<128x64xf32, #tpu.memory_space<vmem>>)
    %dma_wait3A_469 = arith.constant 3 : i32
    %dma_wait3A_470 = arith.constant 3 : i32
    %dma_wait3A_471 = arith.constant 0 : i32
    %dma_wait3A_472 = arith.constant 0 : i32
    %dma_wait3A_473 = tpu.memref_slice %arg6[%dma_wait3A_469, %dma_wait3A_471, %dma_wait3A_472] : memref<8x128x64xf32, #tpu.memory_space<vmem>> -> memref<1x128x64xf32, #tpu.memory_space<vmem>>
    %dma_wait3A_474 = tpu.memref_squeeze %dma_wait3A_473 : memref<1x128x64xf32, #tpu.memory_space<vmem>> -> memref<128x64xf32, #tpu.memory_space<vmem>>
    %dma_wait3A_475 = arith.constant 0 : i32
    %dma_wait3A_476 = arith.constant 0 : i32
    %dma_wait3A_477 = tpu.memref_slice %arg3[%dma_wait3A_475, %dma_wait3A_476] : memref<1000000x64xf32, #tpu.memory_space<hbm>> -> memref<128x64xf32, #tpu.memory_space<hbm>>
    %dma_wait3A_478 = tpu.memref_slice %arg8[%dma_wait3A_470] : memref<8x!tpu.dma_semaphore, #tpu.memory_space<semaphore_mem>> -> memref<1x!tpu.dma_semaphore, #tpu.memory_space<semaphore_mem>>
    %dma_wait3A_479 = tpu.memref_squeeze %dma_wait3A_478 : memref<1x!tpu.dma_semaphore, #tpu.memory_space<semaphore_mem>> -> memref<!tpu.dma_semaphore, #tpu.memory_space<semaphore_mem>>
    %dma_wait3A_480 = arith.constant 0 : i32
    %dma_wait3A_481 = arith.constant 0 : i32
    %dma_wait3A_482 = tpu.memref_slice %arg6[%dma_wait3A_469, %dma_wait3A_480, %dma_wait3A_481] : memref<8x128x64xf32, #tpu.memory_space<vmem>> -> memref<1x128x64xf32, #tpu.memory_space<vmem>>
    %dma_wait3A_483 = tpu.memref_squeeze %dma_wait3A_482 : memref<1x128x64xf32, #tpu.memory_space<vmem>> -> memref<128x64xf32, #tpu.memory_space<vmem>>
    %dma_wait3A_484 = arith.constant 0 : i32
    %dma_wait3A_485 = arith.constant 0 : i32
    %dma_wait3A_486 = tpu.memref_slice %arg3[%dma_wait3A_484, %dma_wait3A_485] : memref<1000000x64xf32, #tpu.memory_space<hbm>> -> memref<128x64xf32, #tpu.memory_space<hbm>>
    tpu.wait_dma2 semaphore(%dma_wait3A_479 : memref<!tpu.dma_semaphore, #tpu.memory_space<semaphore_mem>>) src(%dma_wait3A_486 : memref<128x64xf32, #tpu.memory_space<hbm>>) dst(%dma_wait3A_483 : memref<128x64xf32, #tpu.memory_space<vmem>>)
    %dma_wait3A_487 = arith.constant 4 : i32
    %dma_wait3A_488 = arith.constant 4 : i32
    %dma_wait3A_489 = arith.constant 0 : i32
    %dma_wait3A_490 = arith.constant 0 : i32
    %dma_wait3A_491 = tpu.memref_slice %arg6[%dma_wait3A_487, %dma_wait3A_489, %dma_wait3A_490] : memref<8x128x64xf32, #tpu.memory_space<vmem>> -> memref<1x128x64xf32, #tpu.memory_space<vmem>>
    %dma_wait3A_492 = tpu.memref_squeeze %dma_wait3A_491 : memref<1x128x64xf32, #tpu.memory_space<vmem>> -> memref<128x64xf32, #tpu.memory_space<vmem>>
    %dma_wait3A_493 = arith.constant 0 : i32
    %dma_wait3A_494 = arith.constant 0 : i32
    %dma_wait3A_495 = tpu.memref_slice %arg3[%dma_wait3A_493, %dma_wait3A_494] : memref<1000000x64xf32, #tpu.memory_space<hbm>> -> memref<128x64xf32, #tpu.memory_space<hbm>>
    %dma_wait3A_496 = tpu.memref_slice %arg8[%dma_wait3A_488] : memref<8x!tpu.dma_semaphore, #tpu.memory_space<semaphore_mem>> -> memref<1x!tpu.dma_semaphore, #tpu.memory_space<semaphore_mem>>
    %dma_wait3A_497 = tpu.memref_squeeze %dma_wait3A_496 : memref<1x!tpu.dma_semaphore, #tpu.memory_space<semaphore_mem>> -> memref<!tpu.dma_semaphore, #tpu.memory_space<semaphore_mem>>
    %dma_wait3A_498 = arith.constant 0 : i32
    %dma_wait3A_499 = arith.constant 0 : i32
    %dma_wait3A_500 = tpu.memref_slice %arg6[%dma_wait3A_487, %dma_wait3A_498, %dma_wait3A_499] : memref<8x128x64xf32, #tpu.memory_space<vmem>> -> memref<1x128x64xf32, #tpu.memory_space<vmem>>
    %dma_wait3A_501 = tpu.memref_squeeze %dma_wait3A_500 : memref<1x128x64xf32, #tpu.memory_space<vmem>> -> memref<128x64xf32, #tpu.memory_space<vmem>>
    %dma_wait3A_502 = arith.constant 0 : i32
    %dma_wait3A_503 = arith.constant 0 : i32
    %dma_wait3A_504 = tpu.memref_slice %arg3[%dma_wait3A_502, %dma_wait3A_503] : memref<1000000x64xf32, #tpu.memory_space<hbm>> -> memref<128x64xf32, #tpu.memory_space<hbm>>
    tpu.wait_dma2 semaphore(%dma_wait3A_497 : memref<!tpu.dma_semaphore, #tpu.memory_space<semaphore_mem>>) src(%dma_wait3A_504 : memref<128x64xf32, #tpu.memory_space<hbm>>) dst(%dma_wait3A_501 : memref<128x64xf32, #tpu.memory_space<vmem>>)
    %dma_wait3A_505 = arith.constant 5 : i32
    %dma_wait3A_506 = arith.constant 5 : i32
    %dma_wait3A_507 = arith.constant 0 : i32
    %dma_wait3A_508 = arith.constant 0 : i32
    %dma_wait3A_509 = tpu.memref_slice %arg6[%dma_wait3A_505, %dma_wait3A_507, %dma_wait3A_508] : memref<8x128x64xf32, #tpu.memory_space<vmem>> -> memref<1x128x64xf32, #tpu.memory_space<vmem>>
    %dma_wait3A_510 = tpu.memref_squeeze %dma_wait3A_509 : memref<1x128x64xf32, #tpu.memory_space<vmem>> -> memref<128x64xf32, #tpu.memory_space<vmem>>
    %dma_wait3A_511 = arith.constant 0 : i32
    %dma_wait3A_512 = arith.constant 0 : i32
    %dma_wait3A_513 = tpu.memref_slice %arg3[%dma_wait3A_511, %dma_wait3A_512] : memref<1000000x64xf32, #tpu.memory_space<hbm>> -> memref<128x64xf32, #tpu.memory_space<hbm>>
    %dma_wait3A_514 = tpu.memref_slice %arg8[%dma_wait3A_506] : memref<8x!tpu.dma_semaphore, #tpu.memory_space<semaphore_mem>> -> memref<1x!tpu.dma_semaphore, #tpu.memory_space<semaphore_mem>>
    %dma_wait3A_515 = tpu.memref_squeeze %dma_wait3A_514 : memref<1x!tpu.dma_semaphore, #tpu.memory_space<semaphore_mem>> -> memref<!tpu.dma_semaphore, #tpu.memory_space<semaphore_mem>>
    %dma_wait3A_516 = arith.constant 0 : i32
    %dma_wait3A_517 = arith.constant 0 : i32
    %dma_wait3A_518 = tpu.memref_slice %arg6[%dma_wait3A_505, %dma_wait3A_516, %dma_wait3A_517] : memref<8x128x64xf32, #tpu.memory_space<vmem>> -> memref<1x128x64xf32, #tpu.memory_space<vmem>>
    %dma_wait3A_519 = tpu.memref_squeeze %dma_wait3A_518 : memref<1x128x64xf32, #tpu.memory_space<vmem>> -> memref<128x64xf32, #tpu.memory_space<vmem>>
    %dma_wait3A_520 = arith.constant 0 : i32
    %dma_wait3A_521 = arith.constant 0 : i32
    %dma_wait3A_522 = tpu.memref_slice %arg3[%dma_wait3A_520, %dma_wait3A_521] : memref<1000000x64xf32, #tpu.memory_space<hbm>> -> memref<128x64xf32, #tpu.memory_space<hbm>>
    tpu.wait_dma2 semaphore(%dma_wait3A_515 : memref<!tpu.dma_semaphore, #tpu.memory_space<semaphore_mem>>) src(%dma_wait3A_522 : memref<128x64xf32, #tpu.memory_space<hbm>>) dst(%dma_wait3A_519 : memref<128x64xf32, #tpu.memory_space<vmem>>)
    %dma_wait3A_523 = arith.constant 6 : i32
    %dma_wait3A_524 = arith.constant 6 : i32
    %dma_wait3A_525 = arith.constant 0 : i32
    %dma_wait3A_526 = arith.constant 0 : i32
    %dma_wait3A_527 = tpu.memref_slice %arg6[%dma_wait3A_523, %dma_wait3A_525, %dma_wait3A_526] : memref<8x128x64xf32, #tpu.memory_space<vmem>> -> memref<1x128x64xf32, #tpu.memory_space<vmem>>
    %dma_wait3A_528 = tpu.memref_squeeze %dma_wait3A_527 : memref<1x128x64xf32, #tpu.memory_space<vmem>> -> memref<128x64xf32, #tpu.memory_space<vmem>>
    %dma_wait3A_529 = arith.constant 0 : i32
    %dma_wait3A_530 = arith.constant 0 : i32
    %dma_wait3A_531 = tpu.memref_slice %arg3[%dma_wait3A_529, %dma_wait3A_530] : memref<1000000x64xf32, #tpu.memory_space<hbm>> -> memref<128x64xf32, #tpu.memory_space<hbm>>
    %dma_wait3A_532 = tpu.memref_slice %arg8[%dma_wait3A_524] : memref<8x!tpu.dma_semaphore, #tpu.memory_space<semaphore_mem>> -> memref<1x!tpu.dma_semaphore, #tpu.memory_space<semaphore_mem>>
    %dma_wait3A_533 = tpu.memref_squeeze %dma_wait3A_532 : memref<1x!tpu.dma_semaphore, #tpu.memory_space<semaphore_mem>> -> memref<!tpu.dma_semaphore, #tpu.memory_space<semaphore_mem>>
    %dma_wait3A_534 = arith.constant 0 : i32
    %dma_wait3A_535 = arith.constant 0 : i32
    %dma_wait3A_536 = tpu.memref_slice %arg6[%dma_wait3A_523, %dma_wait3A_534, %dma_wait3A_535] : memref<8x128x64xf32, #tpu.memory_space<vmem>> -> memref<1x128x64xf32, #tpu.memory_space<vmem>>
    %dma_wait3A_537 = tpu.memref_squeeze %dma_wait3A_536 : memref<1x128x64xf32, #tpu.memory_space<vmem>> -> memref<128x64xf32, #tpu.memory_space<vmem>>
    %dma_wait3A_538 = arith.constant 0 : i32
    %dma_wait3A_539 = arith.constant 0 : i32
    %dma_wait3A_540 = tpu.memref_slice %arg3[%dma_wait3A_538, %dma_wait3A_539] : memref<1000000x64xf32, #tpu.memory_space<hbm>> -> memref<128x64xf32, #tpu.memory_space<hbm>>
    tpu.wait_dma2 semaphore(%dma_wait3A_533 : memref<!tpu.dma_semaphore, #tpu.memory_space<semaphore_mem>>) src(%dma_wait3A_540 : memref<128x64xf32, #tpu.memory_space<hbm>>) dst(%dma_wait3A_537 : memref<128x64xf32, #tpu.memory_space<vmem>>)
    %dma_wait3A_541 = arith.constant 7 : i32
    %dma_wait3A_542 = arith.constant 7 : i32
    %dma_wait3A_543 = arith.constant 0 : i32
    %dma_wait3A_544 = arith.constant 0 : i32
    %dma_wait3A_545 = tpu.memref_slice %arg6[%dma_wait3A_541, %dma_wait3A_543, %dma_wait3A_544] : memref<8x128x64xf32, #tpu.memory_space<vmem>> -> memref<1x128x64xf32, #tpu.memory_space<vmem>>
    %dma_wait3A_546 = tpu.memref_squeeze %dma_wait3A_545 : memref<1x128x64xf32, #tpu.memory_space<vmem>> -> memref<128x64xf32, #tpu.memory_space<vmem>>
    %dma_wait3A_547 = arith.constant 0 : i32
    %dma_wait3A_548 = arith.constant 0 : i32
    %dma_wait3A_549 = tpu.memref_slice %arg3[%dma_wait3A_547, %dma_wait3A_548] : memref<1000000x64xf32, #tpu.memory_space<hbm>> -> memref<128x64xf32, #tpu.memory_space<hbm>>
    %dma_wait3A_550 = tpu.memref_slice %arg8[%dma_wait3A_542] : memref<8x!tpu.dma_semaphore, #tpu.memory_space<semaphore_mem>> -> memref<1x!tpu.dma_semaphore, #tpu.memory_space<semaphore_mem>>
    %dma_wait3A_551 = tpu.memref_squeeze %dma_wait3A_550 : memref<1x!tpu.dma_semaphore, #tpu.memory_space<semaphore_mem>> -> memref<!tpu.dma_semaphore, #tpu.memory_space<semaphore_mem>>
    %dma_wait3A_552 = arith.constant 0 : i32
    %dma_wait3A_553 = arith.constant 0 : i32
    %dma_wait3A_554 = tpu.memref_slice %arg6[%dma_wait3A_541, %dma_wait3A_552, %dma_wait3A_553] : memref<8x128x64xf32, #tpu.memory_space<vmem>> -> memref<1x128x64xf32, #tpu.memory_space<vmem>>
    %dma_wait3A_555 = tpu.memref_squeeze %dma_wait3A_554 : memref<1x128x64xf32, #tpu.memory_space<vmem>> -> memref<128x64xf32, #tpu.memory_space<vmem>>
    %dma_wait3A_556 = arith.constant 0 : i32
    %dma_wait3A_557 = arith.constant 0 : i32
    %dma_wait3A_558 = tpu.memref_slice %arg3[%dma_wait3A_556, %dma_wait3A_557] : memref<1000000x64xf32, #tpu.memory_space<hbm>> -> memref<128x64xf32, #tpu.memory_space<hbm>>
    tpu.wait_dma2 semaphore(%dma_wait3A_551 : memref<!tpu.dma_semaphore, #tpu.memory_space<semaphore_mem>>) src(%dma_wait3A_558 : memref<128x64xf32, #tpu.memory_space<hbm>>) dst(%dma_wait3A_555 : memref<128x64xf32, #tpu.memory_space<vmem>>)
    return
  }
}

</mosaic_0001>

<sc_bundles>
// kernel: _embedding_lookup.3.cloned.1.call-start
scs
__scs_entry_jumppad:
0x0: {  	(pc) =	sbr.rel $0x88, $3  }
0x1: {  	(tag) =	ssettag $0x0;
	lr =	simm.s32 $0x1  }
0x2: {  	[smem:$0x3F9F] =	sst lr;
	_ =	strace $0xD0000000  }
0x3: {  	_ = 	snop  }
0x4: {  	_ = 	snop  }
0x5: {  	_ = 	snop  }
0x6: {  	_ = 	snop  }
0x7: {  	_ = 	snop  }
__scs_overlays_trampoline_lowered:
0x8: {  	[smem:$0x3FAE] =	sst s0  }
0x9: {  	[smem:$0x3FAF] =	sst s1  }
0xa: {  	[smem:$0x3FB0] =	sst s2  }
0xb: {  	[smem:$0x3FB1] =	sst s3  }
0xc: {  	[smem:$0x3FB2] =	sst s4  }
0xd: {  	[smem:$0x3FB3] =	sst s5  }
0xe: {  	[smem:$0x3FB4] =	sst s6  }
0xf: {  	[smem:$0x3FB5] =	sst s7  }
0x10: {  	[smem:$0x3FB6] =	sst s8  }
0x11: {  	[smem:$0x3FB7] =	sst s9;
	s0 =	simm.s32 @!p0 $0x0  }
0x12: {  	s1 =	sld [smem:$0x3F9D];
	s0 =	simm.s32 @p0 $0x1  }
0x13: {  	[smem:$0x3FB8] =	sst s0;
	s0 =	simm.s32 @!p1 $0x0  }
0x14: {  	s2 =	sld [smem:$0x3F9C];
	s0 =	simm.s32 @p1 $0x1  }
0x15: {  	[smem:$0x3FB9] =	sst s0;
	s0 =	simm.s32 @!p2 $0x0  }
0x16: {  	s3 =	sld [smem:$0x3FDB];
	s0 =	simm.s32 @p2 $0x1  }
0x17: {  	s4 =	simm.s32 $0x1BF5;
	[smem:$0x3FBB] =	sst s0  }
0x18: {  	s0 =	sld [smem:$0x3F9E];
	_ =	swait.ge [sflag:s4], $0x0  }
0x19: {  	s7 =	sld [smem:$0x3F9F]  }
0x1a: {  	s8 =	sadd.s32 $0xFFFFE003, lr  }
0x1b: {  	s9 =	sadd.s32 $0xFFFFFEF7, lr;
	s5 =	simm.s32 $0xFFFFFFFF;
	p2 =	slt.u32 s8, $0xFFFFF086  }
0x1c: {  	p1 =	slt.u32 s9, $0xF7A;
	s5 =	simm.s32 @!p2 $0x0  }
0x1d: {  	s5 =	simm.s32 @p1 $0x1;
	p0 =	seq.s32 s7, s2  }
0x1e: {  	s7 =	smul.u32 @!p0 $0xF7A, s2;
	p2 =	seq.s32 @!p0 s5, $0x0  }
0x1f: {  	s9 =	smul.u32 $0xF7A, s1;
	s8 =	simm.s32 @!p0 $0x1BF5;
	p2 =	por !p2, p0  }
0x20: {  	[sflag:s8] =	ssyncset.s32 @!p0 $0xFFFFF086;
	s6 =	sadd.s32 @!p0 s3, s7;
	s7 =	simm.s32 @!p0 $0x108  }
0x21: {  	s3 =	sadd.s32 s3, s9;
	s6 =	sadd.s32 @!p0 $0x88, s6;
	s7 =	simm.s32 @p2 $0x1082  }
0x22: {  	[simem:s7], [sflag:s8] =	dma.local @!p0 [hbm:s6], $0xF7A  }
0x23: {  	s9 =	sor.u32 $0xD0000000, s2;
	s6 =	simm.s32 $0x108;
	_ =	swait.ge @!p0 [sflag:s8], $0x0  }
0x24: {  	s3 =	sadd.s32 $0x88, s3;
	s6 =	simm.s32 @!p1 $0x1082;
	[sflag:s4] =	ssyncset.s32 $0xFFFFF086  }
0x25: {  	[simem:s6], [sflag:s4] =	dma.local [hbm:s3], $0xF7A  }
0x26: {  	[smem:$0x3F9F] =	sst s1;
	(tag) =	ssettag s2;
	_ =	strace s9  }
0x27: {  	s1 =	sld [smem:$0x3FAF]  }
0x28: {  	s2 =	sld [smem:$0x3FB0]  }
0x29: {  	s4 =	sld [smem:$0x3FB2]  }
0x2a: {  	p0 =	seq.s32 s5, $0x0;
	s5 =	sld [smem:$0x3FB3]  }
0x2b: {  	s6 =	sld [smem:$0x3FB4]  }
0x2c: {  	s7 =	sld [smem:$0x3FB5]  }
0x2d: {  	s3 =	simm.s32 $0x108;
	s8 =	sld [smem:$0x3FB6]  }
0x2e: {  	s3 =	simm.s32 @!p0 $0x1082;
	s9 =	sld [smem:$0x3FB7]  }
0x2f: {  	lr =	sadd.s32 s0, s3;
	s0 =	sld [smem:$0x3FAE]  }
0x30: {  	s3 =	sld [smem:$0x3FB1]  }
0x31: {  	[smem:$0x3FBA] =	sst s10  }
0x32: {  	s10 =	sld [smem:$0x3FB8];
	_ =	sdelay $0x3  }
0x33: {  	p0 =	seq.s32 s10, $0x1;
	s10 =	sld [smem:$0x3FBA];
	_ =	sdelay $0x3  }
0x34: {  	[smem:$0x3FBA] =	sst s10  }
0x35: {  	s10 =	sld [smem:$0x3FB9];
	_ =	sdelay $0x3  }
0x36: {  	p1 =	seq.s32 s10, $0x1;
	s10 =	sld [smem:$0x3FBA];
	_ =	sdelay $0x3  }
0x37: {  	[smem:$0x3FBA] =	sst s10  }
0x38: {  	s10 =	sld [smem:$0x3FBB]  }
0x39: {  	_ = 	snop;
	(pc) =	sbr.ind lr, $3  }
0x3a: {  	_ = 	snop  }
0x3b: {  	_ = 	snop  }
0x3c: {  	p2 =	seq.s32 s10, $0x1;
	s10 =	sld [smem:$0x3FBA]  }
0x3d: {  	_ =	shalt  }
0x3e: {  	_ =	shalt  }
0x3f: {  	_ =	shalt  }
0x40: {  	_ =	shalt  }
0x41: {  	_ =	shalt  }
0x42: {  	_ =	shalt  }
0x43: {  	_ =	shalt  }
0x44: {  	_ =	shalt  }
0x45: {  	_ =	shalt  }
0x46: {  	_ =	shalt  }
0x47: {  	_ =	shalt  }
0x48: {  	_ =	shalt  }
0x49: {  	_ =	shalt  }
0x4a: {  	_ =	shalt  }
0x4b: {  	_ =	shalt  }
0x4c: {  	_ =	shalt  }
0x4d: {  	_ =	shalt  }
0x4e: {  	_ =	shalt  }
0x4f: {  	_ =	shalt  }
0x50: {  	_ =	shalt  }
0x51: {  	_ =	shalt  }
0x52: {  	_ =	shalt  }
0x53: {  	_ =	shalt  }
0x54: {  	_ =	shalt  }
0x55: {  	_ =	shalt  }
0x56: {  	_ =	shalt  }
0x57: {  	_ =	shalt  }
0x58: {  	_ =	shalt  }
0x59: {  	_ =	shalt  }
0x5a: {  	_ =	shalt  }
0x5b: {  	_ =	shalt  }
0x5c: {  	_ =	shalt  }
0x5d: {  	_ =	shalt  }
0x5e: {  	_ =	shalt  }
0x5f: {  	_ =	shalt  }
0x60: {  	_ =	shalt  }
0x61: {  	_ =	shalt  }
0x62: {  	_ =	shalt  }
0x63: {  	_ =	shalt  }
0x64: {  	_ =	shalt  }
0x65: {  	_ =	shalt  }
0x66: {  	_ =	shalt  }
0x67: {  	_ =	shalt  }
0x68: {  	_ =	shalt  }
0x69: {  	_ =	shalt  }
0x6a: {  	_ =	shalt  }
0x6b: {  	_ =	shalt  }
0x6c: {  	_ =	shalt  }
0x6d: {  	_ =	shalt  }
0x6e: {  	_ =	shalt  }
0x6f: {  	_ =	shalt  }
0x70: {  	_ =	shalt  }
0x71: {  	_ =	shalt  }
0x72: {  	_ =	shalt  }
0x73: {  	_ =	shalt  }
0x74: {  	_ =	shalt  }
0x75: {  	_ =	shalt  }
0x76: {  	_ =	shalt  }
0x77: {  	_ =	shalt  }
0x78: {  	_ =	shalt  }
0x79: {  	_ =	shalt  }
0x7a: {  	_ =	shalt  }
0x7b: {  	_ =	shalt  }
0x7c: {  	_ =	shalt  }
0x7d: {  	_ =	shalt  }
0x7e: {  	_ =	shalt  }
0x7f: {  	_ =	shalt  }
0x80: {  	_ =	shalt  }
0x81: {  	_ =	shalt  }
0x82: {  	_ =	shalt  }
0x83: {  	_ =	shalt  }
0x84: {  	_ =	shalt  }
0x85: {  	_ =	shalt  }
0x86: {  	_ =	shalt  }
0x87: {  	_ =	shalt  }
.Lfunc_end0:
.L_simem_size_0:
called_computation.1_lowered:
.L_overlay_start_0:
0x88: {  	s2 =	sld [smem:$0x3FD9]  }
0x89: {  	s3 =	sld [smem:$0x3FFE];
	_ =	sdelay $0x1  }
0x8a: {  	s1 =	srdreg.scid  }
0x8b: {  	s0 =	sand.u32 $0x1, s1  }
0x8c: {  	s17 =	sshll.u32 s0, $0xA;
	s2 =	sadd.s32 s3, s2  }
0x8d: {  	s2 =	sadd.s32 s2, s17  }
0x8e: {  	[smem:$0x3FC6] =	sst s2  }
0x8f: {  	_ = 	snop  }
0x90: {  	s2 =	sld [smem:$0x3FC9]  }
0x91: {  	s18 =	sld [smem:$0x3FD0];
	(tm) =	ssettm $0x1  }
0x92: {  	s4 =	sld [smem:$0x3FFB];
	_ =	sdelay $0x3  }
0x93: {  	_ =	strace s4  }
0x94: {  	s4 =	sld [smem:$0x3FFC];
	_ =	sdelay $0x3  }
0x95: {  	_ =	strace s4  }
0x96: {  	s4 =	sld [smem:$0x3FFD];
	_ =	sdelay $0x3  }
0x97: {  	_ =	strace s4  }
0x98: {  	_ =	strace $0x8FFFFFFF  }
0x99: {  	s19 =	sld [smem:$0x3FDB];
	_ =	sdelay $0x1  }
0x9a: {  	s5 =	simm.s32 $_scs_section_size  }
0x9b: {  	s6 =	simm.s32 $_size__tile_overlayer_lowered;
	s7 =	simm.s32 $_tile_overlayer_lowered  }
0x9c: {  	s22 =	simm.s32 $0x1BFF;
	s21 =	sshll.u32 s7, $0x1;
	s4 =	sadd.s32 s5, s19  }
0x9d: {  	s8 =	simm.s32 $0x0;
	s20 =	sshll.u32 s6, $0x1;
	s6 =	sadd.s32 s21, s4  }
0x9e: {  	[timem:s8], [sflag:s22] =	dma.local [hbm:s6], s20  }
0x9f: {  	_ =	swait.ge [sflag:s22], s20  }
0xa0: {  	s5 =	ssub.s32 $0x0, s20;
	[sflag:s22] =	ssyncset.done $0x0  }
0xa1: {  	[sflag:s22] =	ssyncadd.s32 s5;
	_ =	sdelay $0x1  }
0xa2: {  	s23 =	simm.s32 $0x1B8B  }
0xa3: {  	_ =	swait.ge [sflag:s23], $0x1  }
0xa4: {  	[sflag:s23] =	ssyncset.done $0x0  }
0xa5: {  	s25 =	simm.s32 $0x1B8E;
	s24 =	sld [smem:$0x3FFE];
	[sflag:s23] =	ssyncadd.s32 $0xFFFFFFFF  }
0xa6: {  	s26 =	simm.s32 $execute0_lowered;
	[smem:$0x3FD2] =	sst s25  }
0xa7: {  	s6 =	sshll.u32 s26, $0x1;
	_ =	strace $0x80000046;
	[dreg:$0x1] =	wrdreg $0xFFFFFFFF  }
0xa8: {  	s28 =	simm.s32 $_size_execute0_lowered;
	s4 =	sadd.s32 s4, s6;
	[dreg:$0x0] =	wrdreg $0x0  }
0xa9: {  	s6 =	sshll.u32 s28, $0x1;
	[dreg:$0x2] =	wrdreg s4  }
0xaa: {  	[dreg:$0x3] =	wrdreg s6  }
0xab: {  	[dreg:$0x4] =	wrdreg $0xC0  }
0xac: {  	_ =	task [dreg:s8], $0x5FFFF  }
0xad: {  	[dreg:$0x1] =	wrdreg $0xFFFFFFFF  }
0xae: {  	[dreg:$0x0] =	wrdreg $0x60  }
0xaf: {  	[dreg:$0x2] =	wrdreg s2  }
0xb0: {  	[dreg:$0x3] =	wrdreg s24  }
0xb1: {  	[dreg:$0x4] =	wrdreg s18  }
0xb2: {  	[dreg:$0x5] =	wrdreg $0x9  }
0xb3: {  	_ =	task.clear_ibuf [dreg:s8], $0x6FFFF;
	_ =	strace $0x90000046  }
0xb4: {  	s29 =	simm.s32 $0x9;
	_ =	strace $0x80000048  }
0xb5: {  	_ =	swait.ge [sflag:s29], $0x1  }
0xb6: {  	[sflag:s29] =	ssyncadd.s32 $0xFFFFFFFF  }
0xb7: {  	_ =	strace $0x90000048  }
0xb8: {  	_ =	sfence  }
0xb9: {  	s30 =	sld [smem:$0x0];
	_ =	sdelay $0x2  }
0xba: {  	s31 =	sshll.u32 s1, $0xD;
	s1 =	sshrl.u32 s1, $0x2  }
0xbb: {  	s3 =	sand.u32 $0x4000, s31;
	s1 =	sadd.s32 s1, s30  }
0xbc: {  	s0 =	sor.u32 s3, s0;
	s1 =	sshll.u32 s1, $0x11  }
0xbd: {  	s0 =	sor.u32 s1, s0  }
0xbe: {  	s0 =	sadd.s32 $0x8F2B, s0  }
0xbf: {  	[sflag:s0] =	ssyncadd.remote.s32 $0x1  }
0xc0: {  	_ =	sfence.sel $0xFFFF  }
0xc1: {  	[dreg:$0x0] =	wrdreg $0xFFFFFFFF;
	(pc) =	sbr.abs _section_cstart, $3  }
0xc2: {  	[dreg:$0x1] =	wrdreg $0xFFFFFFFF  }
0xc3: {  	_ =	task.clear_ibuf [dreg:s8], $0x2FFFF;
	_ =	strace $0x9FFFFFFF  }
0xc4: {  	(tm) =	ssettm $0x7FFFFFFF  }
0xc5: {  	_ =	shalt  }
tec
execute0_lowered:
.L_overlay_start_1:
0x0: {  	(tag) =	ssettag $0x1  }
0x1: {  	s0 =	srdreg.scid;
	s10 =	stileid.u32  }
0x2: {  	s4 =	rddreg [dreg:$0x0];
	s7 =	smul.u32 $0x320000, s10  }
0x3: {  	s0 =	sand.u32 $0x1, s0;
	s1 =	sshll.u32 s10, $0x1;
	s10 =	smul.u32 $0xC800, s10  }
0x4: {  	s3 =	rddreg [dreg:$0x1];
	s8 =	smul.u32 $0x190000, s0  }
0x5: {  	s1 =	sor.u32 s0, s1;
	s9 =	ssub.s32 $0x2, s0;
	s0 =	smul.u32 $0x6400, s0  }
0x6: {  	s6 =	rddreg [dreg:$0x2];
	s2 =	simm.s32 $0x0;
	s5 =	smul.u32 $0xC80, s1  }
0x7: {  	[smem:$0x7FF] =	sst s2;
	s11 =	sshrl.u32 s9, $0x1;
	s1 =	smul.u32 $0x190000, s1  }
0x8: {  	_ =	strace $0x80000047;
	s9 =	ssub.s32 s9, s11;
	s13 =	sadd.s32 s8, s7  }
0x9: {  	s0 =	sadd.s32 s0, s10;
	s4 =	sadd.s32 s4, s5;
	s1 =	sshrl.u32 s1, $0x3  }
0xa: {  	s28 =	smax.u32 s9, $0x1;
	[dreg:$0xc] =	wrdreg s4;
	s1 =	sadd.s32 s6, s1  }
0xb: {  	s4 =	sshrl.u32 s13, $0x3;
	[dreg:$0x15] =	wrdreg s28;
	s14 =	sadd.s32 $0x30000, s1  }
0xc: {  	s0 =	sshll.u32 s0, $0x3;
	s4 =	sadd.s32 s4, s6;
	[dreg:$0xd] =	wrdreg s14  }
0xd: {  	s0 =	sadd.s32 s0, s6;
	s16 =	sadd.s32 $0x30400, s1;
	[dreg:$0x4] =	wrdreg s4  }
0xe: {  	s15 =	sadd.s32 $0x1C00, s0;
	[dreg:$0xe] =	wrdreg s16  }
0xf: {  	s18 =	sadd.s32 $0x30800, s1;
	[dreg:$0x5] =	wrdreg s15  }
0x10: {  	s17 =	sadd.s32 $0x1800, s0;
	[dreg:$0xf] =	wrdreg s18  }
0x11: {  	s20 =	sadd.s32 $0x30C00, s1;
	[dreg:$0x6] =	wrdreg s17  }
0x12: {  	s29 =	simm.s32 $0x9;
	s19 =	sadd.s32 $0x1400, s0;
	[dreg:$0x10] =	wrdreg s20  }
0x13: {  	s12 =	simm.s32 $0x0;
	s22 =	sadd.s32 $0x31000, s1;
	[dreg:$0x7] =	wrdreg s19  }
0x14: {  	s31 =	simm.s32 $0x14400;
	s21 =	sadd.s32 $0x1000, s0;
	[dreg:$0x11] =	wrdreg s22  }
0x15: {  	s30 =	simm.s32 $0x12400;
	s24 =	sadd.s32 $0x31400, s1;
	[dreg:$0x8] =	wrdreg s21  }
0x16: {  	s3 =	sadd.s32 $0xF42C00, s3;
	s23 =	sadd.s32 $0xC00, s0;
	[dreg:$0x12] =	wrdreg s24  }
0x17: {  	s7 =	simm.s32 $0xD;
	s26 =	sadd.s32 $0x31800, s1;
	[dreg:$0x9] =	wrdreg s23  }
0x18: {  	s8 =	simm.s32 $0xE;
	s25 =	sadd.s32 $0x800, s0;
	[dreg:$0x13] =	wrdreg s26  }
0x19: {  	s10 =	simm.s32 $0x10;
	s1 =	sadd.s32 $0x31C00, s1;
	[dreg:$0xa] =	wrdreg s25  }
0x1a: {  	s5 =	simm.s32 $0xB;
	s0 =	sadd.s32 $0x400, s0;
	[dreg:$0x14] =	wrdreg s1  }
0x1b: {  	s9 =	simm.s32 $0xF;
	s6 =	simm.s32 $0xC;
	[dreg:$0xb] =	wrdreg s0  }
0x1c: {  	s15 =	simm.s32 $0x80;
	s1 =	simm.s32 $0x2;
	s0 =	simm.s32 $0x3  }
0x1d: {  	s18 =	simm.s32 $0x4;
	s20 =	simm.s32 $0x5;
	s22 =	simm.s32 $0x6  }
0x1e: {  	s24 =	simm.s32 $0x7;
	s26 =	simm.s32 $0x8;
	s4 =	simm.s32 $0xA  }
.LBB2_1:
0x1f: {  	[dreg:$0x16] =	wrdreg s12  }
0x20: {  	s11 =	rddreg [dreg:$0xc];
	s14 =	simm.s32 $0x11  }
0x21: {  	[tilespmem:s2], [sflag:$0x11] =	stream.linear.gather [hbm4b:s11+s2], $0x6400, $0x38;
	[tilespmem:$0x16400] =	vst v63  }
0x22: {  	_ =	swait.ge [sflag:s14], $0x6400  }
0x23: {  	[sflag:s14] =	ssyncset.done $0x0  }
0x24: {  	s12 =	simm.s32 $0x6400;
	[sflag:s14] =	ssyncadd.s32 $0xFFFF9C00  }
0x25: {  	[tilespmem:s12], [sflag:$0x1] =	stream.indirect.gather [hbm4b:s3+s15], $0x40, s2, s15, $0xb8;
	[tilespmem:$0x16400] =	vst v63  }
0x26: {  	s13 =	simm.s32 $0x8400  }
0x27: {  	[tilespmem:s13], [sflag:$0x2] =	stream.indirect.gather [hbm4b:s3+s15], $0x40, s15, s15, $0xb8;
	[tilespmem:$0x16400] =	vst v63  }
0x28: {  	s16 =	simm.s32 $0x100;
	s14 =	simm.s32 $0xA400  }
0x29: {  	[tilespmem:s14], [sflag:$0x3] =	stream.indirect.gather [hbm4b:s3+s15], $0x40, s16, s15, $0xb8;
	[tilespmem:$0x16400] =	vst v63  }
0x2a: {  	s17 =	simm.s32 $0x180;
	s16 =	simm.s32 $0xC400  }
0x2b: {  	[tilespmem:s16], [sflag:$0x4] =	stream.indirect.gather [hbm4b:s3+s15], $0x40, s17, s15, $0xb8;
	[tilespmem:$0x16400] =	vst v63  }
0x2c: {  	s19 =	simm.s32 $0x200;
	s17 =	simm.s32 $0xE400  }
0x2d: {  	[tilespmem:s17], [sflag:$0x5] =	stream.indirect.gather [hbm4b:s3+s15], $0x40, s19, s15, $0xb8;
	[tilespmem:$0x16400] =	vst v63  }
0x2e: {  	s21 =	simm.s32 $0x280;
	s19 =	simm.s32 $0x10400  }
0x2f: {  	[tilespmem:s19], [sflag:$0x6] =	stream.indirect.gather [hbm4b:s3+s15], $0x40, s21, s15, $0xb8;
	[tilespmem:$0x16400] =	vst v63  }
0x30: {  	s23 =	simm.s32 $0x300;
	s21 =	simm.s32 $0x12400  }
0x31: {  	[tilespmem:s21], [sflag:$0x7] =	stream.indirect.gather [hbm4b:s3+s15], $0x40, s23, s15, $0xb8;
	[tilespmem:$0x16400] =	vst v63  }
0x32: {  	s25 =	simm.s32 $0x380;
	s23 =	simm.s32 $0x14400  }
0x33: {  	[tilespmem:s23], [sflag:$0x8] =	stream.indirect.gather [hbm4b:s3+s15], $0x40, s25, s15, $0xb8;
	[tilespmem:$0x16400] =	vst v63  }
0x34: {  	s25 =	simm.s32 $0x1  }
0x35: {  	_ =	swait.ge [sflag:s25], $0x2000  }
0x36: {  	s28 =	rddreg [dreg:$0x4];
	[sflag:s25] =	ssyncset.done $0x0  }
0x37: {  	[sflag:s25] =	ssyncadd.s32 $0xFFFFE000;
	s11 =	sadd.s32 $0x0, s28  }
0x38: {  	[hbm4b:s11+s2] =	stream.linear.scatter [tilespmem:s12], [sflag:$0x9], $0x2000, $0x38;
	[tilespmem:$0x16400] =	vst v63  }
0x39: {  	_ =	swait.ge [sflag:s1], $0x2000  }
0x3a: {  	s25 =	rddreg [dreg:$0xb];
	[sflag:s1] =	ssyncset.done $0x0  }
0x3b: {  	[sflag:s1] =	ssyncadd.s32 $0xFFFFE000;
	s11 =	sadd.s32 $0x0, s25  }
0x3c: {  	[hbm4b:s11+s2] =	stream.linear.scatter [tilespmem:s13], [sflag:$0xA], $0x2000, $0x38;
	[tilespmem:$0x16400] =	vst v63  }
0x3d: {  	_ =	swait.ge [sflag:s0], $0x2000  }
0x3e: {  	s28 =	rddreg [dreg:$0xa];
	[sflag:s0] =	ssyncset.done $0x0  }
0x3f: {  	[sflag:s0] =	ssyncadd.s32 $0xFFFFE000;
	s11 =	sadd.s32 $0x0, s28  }
0x40: {  	[hbm4b:s11+s2] =	stream.linear.scatter [tilespmem:s14], [sflag:$0xB], $0x2000, $0x38;
	[tilespmem:$0x16400] =	vst v63  }
0x41: {  	_ =	swait.ge [sflag:s18], $0x2000  }
0x42: {  	s25 =	rddreg [dreg:$0x9];
	[sflag:s18] =	ssyncset.done $0x0  }
0x43: {  	[sflag:s18] =	ssyncadd.s32 $0xFFFFE000;
	s11 =	sadd.s32 $0x0, s25  }
0x44: {  	[hbm4b:s11+s2] =	stream.linear.scatter [tilespmem:s16], [sflag:$0xC], $0x2000, $0x38;
	[tilespmem:$0x16400] =	vst v63  }
0x45: {  	_ =	swait.ge [sflag:s20], $0x2000  }
0x46: {  	s28 =	rddreg [dreg:$0x8];
	[sflag:s20] =	ssyncset.done $0x0  }
0x47: {  	[sflag:s20] =	ssyncadd.s32 $0xFFFFE000;
	s11 =	sadd.s32 $0x0, s28  }
0x48: {  	[hbm4b:s11+s2] =	stream.linear.scatter [tilespmem:s17], [sflag:$0xD], $0x2000, $0x38;
	[tilespmem:$0x16400] =	vst v63  }
0x49: {  	_ =	swait.ge [sflag:s22], $0x2000  }
0x4a: {  	s25 =	rddreg [dreg:$0x7];
	[sflag:s22] =	ssyncset.done $0x0  }
0x4b: {  	[sflag:s22] =	ssyncadd.s32 $0xFFFFE000;
	s11 =	sadd.s32 $0x0, s25  }
0x4c: {  	[hbm4b:s11+s2] =	stream.linear.scatter [tilespmem:s19], [sflag:$0xE], $0x2000, $0x38;
	[tilespmem:$0x16400] =	vst v63  }
0x4d: {  	_ =	swait.ge [sflag:s24], $0x2000  }
0x4e: {  	s28 =	rddreg [dreg:$0x6];
	[sflag:s24] =	ssyncset.done $0x0  }
0x4f: {  	[sflag:s24] =	ssyncadd.s32 $0xFFFFE000;
	s11 =	sadd.s32 $0x0, s28  }
0x50: {  	[hbm4b:s11+s2] =	stream.linear.scatter [tilespmem:s21], [sflag:$0xF], $0x2000, $0x38;
	[tilespmem:$0x16400] =	vst v63  }
0x51: {  	_ =	swait.ge [sflag:s26], $0x2000  }
0x52: {  	s25 =	rddreg [dreg:$0x5];
	[sflag:s26] =	ssyncset.done $0x0  }
0x53: {  	[sflag:s26] =	ssyncadd.s32 $0xFFFFE000;
	s11 =	sadd.s32 $0x0, s25  }
0x54: {  	[hbm4b:s11+s2] =	stream.linear.scatter [tilespmem:s23], [sflag:$0x10], $0x2000, $0x38;
	[tilespmem:$0x16400] =	vst v63  }
0x55: {  	_ =	swait.ge [sflag:s29], $0x2000  }
0x56: {  	[sflag:s29] =	ssyncset.done $0x0  }
0x57: {  	s28 =	simm.s32 $0x400;
	[sflag:s29] =	ssyncadd.s32 $0xFFFFE000  }
0x58: {  	[tilespmem:s12], [sflag:$0x1] =	stream.indirect.gather [hbm4b:s3+s15], $0x40, s28, s15, $0xb8;
	[tilespmem:$0x16400] =	vst v63  }
0x59: {  	_ =	swait.ge [sflag:s4], $0x2000  }
0x5a: {  	[sflag:s4] =	ssyncset.done $0x0  }
0x5b: {  	s12 =	simm.s32 $0x480;
	[sflag:s4] =	ssyncadd.s32 $0xFFFFE000  }
0x5c: {  	[tilespmem:s13], [sflag:$0x2] =	stream.indirect.gather [hbm4b:s3+s15], $0x40, s12, s15, $0xb8;
	[tilespmem:$0x16400] =	vst v63  }
0x5d: {  	_ =	swait.ge [sflag:s5], $0x2000  }
0x5e: {  	[sflag:s5] =	ssyncset.done $0x0  }
0x5f: {  	s13 =	simm.s32 $0x500;
	[sflag:s5] =	ssyncadd.s32 $0xFFFFE000  }
0x60: {  	[tilespmem:s14], [sflag:$0x3] =	stream.indirect.gather [hbm4b:s3+s15], $0x40, s13, s15, $0xb8;
	[tilespmem:$0x16400] =	vst v63  }
0x61: {  	_ =	swait.ge [sflag:s6], $0x2000  }
0x62: {  	[sflag:s6] =	ssyncset.done $0x0  }
0x63: {  	s14 =	simm.s32 $0x580;
	[sflag:s6] =	ssyncadd.s32 $0xFFFFE000  }
0x64: {  	[tilespmem:s16], [sflag:$0x4] =	stream.indirect.gather [hbm4b:s3+s15], $0x40, s14, s15, $0xb8;
	[tilespmem:$0x16400] =	vst v63  }
0x65: {  	_ =	swait.ge [sflag:s7], $0x2000  }
0x66: {  	[sflag:s7] =	ssyncset.done $0x0  }
0x67: {  	s23 =	simm.s32 $0x600;
	[sflag:s7] =	ssyncadd.s32 $0xFFFFE000  }
0x68: {  	[tilespmem:s17], [sflag:$0x5] =	stream.indirect.gather [hbm4b:s3+s15], $0x40, s23, s15, $0xb8;
	[tilespmem:$0x16400] =	vst v63  }
0x69: {  	_ =	swait.ge [sflag:s8], $0x2000  }
0x6a: {  	[sflag:s8] =	ssyncset.done $0x0  }
0x6b: {  	s25 =	simm.s32 $0x680;
	[sflag:s8] =	ssyncadd.s32 $0xFFFFE000  }
0x6c: {  	[tilespmem:s19], [sflag:$0x6] =	stream.indirect.gather [hbm4b:s3+s15], $0x40, s25, s15, $0xb8;
	[tilespmem:$0x16400] =	vst v63  }
0x6d: {  	_ =	swait.ge [sflag:s9], $0x2000  }
0x6e: {  	[sflag:s9] =	ssyncset.done $0x0  }
0x6f: {  	s28 =	simm.s32 $0x700;
	[sflag:s9] =	ssyncadd.s32 $0xFFFFE000  }
0x70: {  	[tilespmem:s21], [sflag:$0x7] =	stream.indirect.gather [hbm4b:s3+s15], $0x40, s28, s15, $0xb8;
	[tilespmem:$0x16400] =	vst v63  }
0x71: {  	_ =	swait.ge [sflag:s10], $0x2000  }
0x72: {  	s12 =	simm.s32 $0x780;
	[sflag:s10] =	ssyncset.done $0x0  }
0x73: {  	s13 =	simm.s32 $0x2000;
	s14 =	simm.s32 $0xB80;
	[sflag:s10] =	ssyncadd.s32 $0xFFFFE000  }
.LBB2_2:
0x74: {  	[tilespmem:s31], [sflag:$0x8] =	stream.indirect.gather [hbm4b:s3+s15], $0x40, s12, s15, $0xb8;
	[tilespmem:$0x16400] =	vst v63  }
0x75: {  	s17 =	simm.s32 $0x1  }
0x76: {  	_ =	swait.ge [sflag:s17], $0x2000  }
0x77: {  	s11 =	smov.u32 s13;
	s16 =	rddreg [dreg:$0x4];
	[sflag:s17] =	ssyncset.done $0x0  }
0x78: {  	[sflag:s17] =	ssyncadd.s32 $0xFFFFE000;
	s16 =	sadd.s32 s11, s16;
	s17 =	simm.s32 $0x6400  }
0x79: {  	[hbm4b:s16+s2] =	stream.linear.scatter [tilespmem:s17], [sflag:$0x9], $0x2000, $0x38;
	[tilespmem:$0x16400] =	vst v63  }
0x7a: {  	_ =	swait.ge [sflag:s1], $0x2000  }
0x7b: {  	s19 =	rddreg [dreg:$0xb];
	[sflag:s1] =	ssyncset.done $0x0  }
0x7c: {  	[sflag:s1] =	ssyncadd.s32 $0xFFFFE000;
	s16 =	sadd.s32 s11, s19;
	s19 =	simm.s32 $0x8400  }
0x7d: {  	[hbm4b:s16+s2] =	stream.linear.scatter [tilespmem:s19], [sflag:$0xA], $0x2000, $0x38;
	[tilespmem:$0x16400] =	vst v63  }
0x7e: {  	_ =	swait.ge [sflag:s0], $0x2000  }
0x7f: {  	s21 =	rddreg [dreg:$0xa];
	[sflag:s0] =	ssyncset.done $0x0  }
0x80: {  	[sflag:s0] =	ssyncadd.s32 $0xFFFFE000;
	s16 =	sadd.s32 s11, s21;
	s21 =	simm.s32 $0xA400  }
0x81: {  	[hbm4b:s16+s2] =	stream.linear.scatter [tilespmem:s21], [sflag:$0xB], $0x2000, $0x38;
	[tilespmem:$0x16400] =	vst v63  }
0x82: {  	_ =	swait.ge [sflag:s18], $0x2000  }
0x83: {  	s23 =	rddreg [dreg:$0x9];
	[sflag:s18] =	ssyncset.done $0x0  }
0x84: {  	[sflag:s18] =	ssyncadd.s32 $0xFFFFE000;
	s16 =	sadd.s32 s11, s23;
	s23 =	simm.s32 $0xC400  }
0x85: {  	[hbm4b:s16+s2] =	stream.linear.scatter [tilespmem:s23], [sflag:$0xC], $0x2000, $0x38;
	[tilespmem:$0x16400] =	vst v63  }
0x86: {  	_ =	swait.ge [sflag:s20], $0x2000  }
0x87: {  	s25 =	rddreg [dreg:$0x8];
	[sflag:s20] =	ssyncset.done $0x0  }
0x88: {  	[sflag:s20] =	ssyncadd.s32 $0xFFFFE000;
	s16 =	sadd.s32 s11, s25;
	s25 =	simm.s32 $0xE400  }
0x89: {  	[hbm4b:s16+s2] =	stream.linear.scatter [tilespmem:s25], [sflag:$0xD], $0x2000, $0x38;
	[tilespmem:$0x16400] =	vst v63  }
0x8a: {  	_ =	swait.ge [sflag:s22], $0x2000  }
0x8b: {  	s16 =	rddreg [dreg:$0x7];
	[sflag:s22] =	ssyncset.done $0x0  }
0x8c: {  	s28 =	simm.s32 $0x10400;
	[sflag:s22] =	ssyncadd.s32 $0xFFFFE000;
	s16 =	sadd.s32 s11, s16  }
0x8d: {  	[hbm4b:s16+s2] =	stream.linear.scatter [tilespmem:s28], [sflag:$0xE], $0x2000, $0x38;
	[tilespmem:$0x16400] =	vst v63  }
0x8e: {  	_ =	swait.ge [sflag:s24], $0x2000  }
0x8f: {  	s16 =	rddreg [dreg:$0x6];
	[sflag:s24] =	ssyncset.done $0x0  }
0x90: {  	[sflag:s24] =	ssyncadd.s32 $0xFFFFE000;
	s16 =	sadd.s32 s11, s16  }
0x91: {  	[hbm4b:s16+s2] =	stream.linear.scatter [tilespmem:s30], [sflag:$0xF], $0x2000, $0x38;
	[tilespmem:$0x16400] =	vst v63  }
0x92: {  	_ =	swait.ge [sflag:s26], $0x2000  }
0x93: {  	s16 =	rddreg [dreg:$0x5];
	[sflag:s26] =	ssyncset.done $0x0  }
0x94: {  	[sflag:s26] =	ssyncadd.s32 $0xFFFFE000;
	s11 =	sadd.s32 s11, s16  }
0x95: {  	[hbm4b:s11+s2] =	stream.linear.scatter [tilespmem:s31], [sflag:$0x10], $0x2000, $0x38;
	[tilespmem:$0x16400] =	vst v63  }
0x96: {  	_ =	swait.ge [sflag:s29], $0x2000  }
0x97: {  	[sflag:s29] =	ssyncset.done $0x0  }
0x98: {  	s11 =	sadd.s32 $0xFFFFFC80, s14;
	[sflag:s29] =	ssyncadd.s32 $0xFFFFE000  }
0x99: {  	[tilespmem:s17], [sflag:$0x1] =	stream.indirect.gather [hbm4b:s3+s15], $0x40, s11, s15, $0xb8;
	[tilespmem:$0x16400] =	vst v63  }
0x9a: {  	_ =	swait.ge [sflag:s4], $0x2000  }
0x9b: {  	[sflag:s4] =	ssyncset.done $0x0  }
0x9c: {  	s11 =	sadd.s32 $0xFFFFFD00, s14;
	[sflag:s4] =	ssyncadd.s32 $0xFFFFE000  }
0x9d: {  	[tilespmem:s19], [sflag:$0x2] =	stream.indirect.gather [hbm4b:s3+s15], $0x40, s11, s15, $0xb8;
	[tilespmem:$0x16400] =	vst v63  }
0x9e: {  	_ =	swait.ge [sflag:s5], $0x2000  }
0x9f: {  	[sflag:s5] =	ssyncset.done $0x0  }
0xa0: {  	s11 =	sadd.s32 $0xFFFFFD80, s14;
	[sflag:s5] =	ssyncadd.s32 $0xFFFFE000  }
0xa1: {  	[tilespmem:s21], [sflag:$0x3] =	stream.indirect.gather [hbm4b:s3+s15], $0x40, s11, s15, $0xb8;
	[tilespmem:$0x16400] =	vst v63  }
0xa2: {  	_ =	swait.ge [sflag:s6], $0x2000  }
0xa3: {  	[sflag:s6] =	ssyncset.done $0x0  }
0xa4: {  	s11 =	sadd.s32 $0xFFFFFE00, s14;
	[sflag:s6] =	ssyncadd.s32 $0xFFFFE000  }
0xa5: {  	[tilespmem:s23], [sflag:$0x4] =	stream.indirect.gather [hbm4b:s3+s15], $0x40, s11, s15, $0xb8;
	[tilespmem:$0x16400] =	vst v63  }
0xa6: {  	_ =	swait.ge [sflag:s7], $0x2000  }
0xa7: {  	[sflag:s7] =	ssyncset.done $0x0  }
0xa8: {  	s11 =	sadd.s32 $0xFFFFFE80, s14;
	[sflag:s7] =	ssyncadd.s32 $0xFFFFE000  }
0xa9: {  	[tilespmem:s25], [sflag:$0x5] =	stream.indirect.gather [hbm4b:s3+s15], $0x40, s11, s15, $0xb8;
	[tilespmem:$0x16400] =	vst v63  }
0xaa: {  	_ =	swait.ge [sflag:s8], $0x2000  }
0xab: {  	[sflag:s8] =	ssyncset.done $0x0  }
0xac: {  	s12 =	smov.u32 s14;
	s11 =	sadd.s32 $0xFFFFFF00, s14;
	[sflag:s8] =	ssyncadd.s32 $0xFFFFE000  }
0xad: {  	[tilespmem:s28], [sflag:$0x6] =	stream.indirect.gather [hbm4b:s3+s15], $0x40, s11, s15, $0xb8;
	[tilespmem:$0x16400] =	vst v63  }
0xae: {  	p0 =	sne.s32 s13, $0x2E000;
	s13 =	sadd.s32 $0x2000, s13;
	_ =	swait.ge [sflag:s9], $0x2000  }
0xaf: {  	s16 =	simm.s32 $0x6400;
	s17 =	simm.s32 $0x8400;
	[sflag:s9] =	ssyncset.done $0x0  }
.Ltmp0:
0xb0: {  	s11 =	sadd.s32 $0xFFFFFF80, s14;
	[sflag:s9] =	ssyncadd.s32 $0xFFFFE000;
	(pc) =	sbr.rel @p0 .LBB2_2-.Ltmp0, $4  }
0xb1: {  	[tilespmem:s30], [sflag:$0x7] =	stream.indirect.gather [hbm4b:s3+s15], $0x40, s11, s15, $0xb8;
	[tilespmem:$0x16400] =	vst v63  }
0xb2: {  	s19 =	simm.s32 $0xA400;
	s21 =	simm.s32 $0xC400;
	_ =	swait.ge [sflag:s10], $0x2000  }
0xb3: {  	s23 =	simm.s32 $0xE400;
	s25 =	simm.s32 $0x10400;
	[sflag:s10] =	ssyncset.done $0x0  }
0xb4: {  	s28 =	simm.s32 $0x12400;
	s14 =	sadd.s32 $0x400, s14;
	[sflag:s10] =	ssyncadd.s32 $0xFFFFE000  }
0xb5: {  	s13 =	simm.s32 $0x14400;
	s11 =	simm.s32 $0x1  }
0xb6: {  	[tilespmem:s13], [sflag:$0x8] =	stream.indirect.gather [hbm4b:s3+s15], $0x40, s12, s15, $0xb8;
	[tilespmem:$0x16400] =	vst v63  }
0xb7: {  	_ =	swait.ge [sflag:s11], $0x2000  }
0xb8: {  	[sflag:s11] =	ssyncset.done $0x0  }
0xb9: {  	s14 =	rddreg [dreg:$0xd];
	[sflag:s11] =	ssyncadd.s32 $0xFFFFE000  }
0xba: {  	[hbm4b:s14+s2] =	stream.linear.scatter [tilespmem:s16], [sflag:$0x9], $0x2000, $0x38;
	[tilespmem:$0x16400] =	vst v63  }
0xbb: {  	_ =	swait.ge [sflag:s1], $0x2000  }
0xbc: {  	[sflag:s1] =	ssyncset.done $0x0  }
0xbd: {  	s12 =	rddreg [dreg:$0xe];
	[sflag:s1] =	ssyncadd.s32 $0xFFFFE000  }
0xbe: {  	[hbm4b:s12+s2] =	stream.linear.scatter [tilespmem:s17], [sflag:$0xA], $0x2000, $0x38;
	[tilespmem:$0x16400] =	vst v63  }
0xbf: {  	_ =	swait.ge [sflag:s0], $0x2000  }
0xc0: {  	[sflag:s0] =	ssyncset.done $0x0  }
0xc1: {  	s14 =	rddreg [dreg:$0xf];
	[sflag:s0] =	ssyncadd.s32 $0xFFFFE000  }
0xc2: {  	[hbm4b:s14+s2] =	stream.linear.scatter [tilespmem:s19], [sflag:$0xB], $0x2000, $0x38;
	[tilespmem:$0x16400] =	vst v63  }
0xc3: {  	_ =	swait.ge [sflag:s18], $0x2000  }
0xc4: {  	[sflag:s18] =	ssyncset.done $0x0  }
0xc5: {  	s16 =	rddreg [dreg:$0x10];
	[sflag:s18] =	ssyncadd.s32 $0xFFFFE000  }
0xc6: {  	[hbm4b:s16+s2] =	stream.linear.scatter [tilespmem:s21], [sflag:$0xC], $0x2000, $0x38;
	[tilespmem:$0x16400] =	vst v63  }
0xc7: {  	_ =	swait.ge [sflag:s20], $0x2000  }
0xc8: {  	[sflag:s20] =	ssyncset.done $0x0  }
0xc9: {  	s17 =	rddreg [dreg:$0x11];
	[sflag:s20] =	ssyncadd.s32 $0xFFFFE000  }
0xca: {  	[hbm4b:s17+s2] =	stream.linear.scatter [tilespmem:s23], [sflag:$0xD], $0x2000, $0x38;
	[tilespmem:$0x16400] =	vst v63  }
0xcb: {  	_ =	swait.ge [sflag:s22], $0x2000  }
0xcc: {  	[sflag:s22] =	ssyncset.done $0x0  }
0xcd: {  	s19 =	rddreg [dreg:$0x12];
	[sflag:s22] =	ssyncadd.s32 $0xFFFFE000  }
0xce: {  	[hbm4b:s19+s2] =	stream.linear.scatter [tilespmem:s25], [sflag:$0xE], $0x2000, $0x38;
	[tilespmem:$0x16400] =	vst v63  }
0xcf: {  	_ =	swait.ge [sflag:s24], $0x2000  }
0xd0: {  	[sflag:s24] =	ssyncset.done $0x0  }
0xd1: {  	s21 =	rddreg [dreg:$0x13];
	[sflag:s24] =	ssyncadd.s32 $0xFFFFE000  }
0xd2: {  	[hbm4b:s21+s2] =	stream.linear.scatter [tilespmem:s28], [sflag:$0xF], $0x2000, $0x38;
	[tilespmem:$0x16400] =	vst v63  }
0xd3: {  	_ =	swait.ge [sflag:s26], $0x2000  }
0xd4: {  	[sflag:s26] =	ssyncset.done $0x0  }
0xd5: {  	s23 =	rddreg [dreg:$0x14];
	[sflag:s26] =	ssyncadd.s32 $0xFFFFE000  }
0xd6: {  	[hbm4b:s23+s2] =	stream.linear.scatter [tilespmem:s13], [sflag:$0x10], $0x2000, $0x38;
	[tilespmem:$0x16400] =	vst v63  }
0xd7: {  	_ =	swait.ge [sflag:s29], $0x2000  }
0xd8: {  	[sflag:s29] =	ssyncset.done $0x0  }
0xd9: {  	[sflag:s29] =	ssyncadd.s32 $0xFFFFE000  }
0xda: {  	_ =	swait.ge [sflag:s4], $0x2000  }
0xdb: {  	[sflag:s4] =	ssyncset.done $0x0  }
0xdc: {  	[sflag:s4] =	ssyncadd.s32 $0xFFFFE000  }
0xdd: {  	_ =	swait.ge [sflag:s5], $0x2000  }
0xde: {  	[sflag:s5] =	ssyncset.done $0x0  }
0xdf: {  	[sflag:s5] =	ssyncadd.s32 $0xFFFFE000  }
0xe0: {  	_ =	swait.ge [sflag:s6], $0x2000  }
0xe1: {  	[sflag:s6] =	ssyncset.done $0x0  }
0xe2: {  	[sflag:s6] =	ssyncadd.s32 $0xFFFFE000  }
0xe3: {  	_ =	swait.ge [sflag:s7], $0x2000  }
0xe4: {  	[sflag:s7] =	ssyncset.done $0x0  }
0xe5: {  	[sflag:s7] =	ssyncadd.s32 $0xFFFFE000  }
0xe6: {  	_ =	swait.ge [sflag:s8], $0x2000  }
0xe7: {  	[sflag:s8] =	ssyncset.done $0x0  }
0xe8: {  	[sflag:s8] =	ssyncadd.s32 $0xFFFFE000  }
0xe9: {  	_ =	swait.ge [sflag:s9], $0x2000  }
0xea: {  	[sflag:s9] =	ssyncset.done $0x0  }
0xeb: {  	[sflag:s9] =	ssyncadd.s32 $0xFFFFE000  }
0xec: {  	_ =	swait.ge [sflag:s10], $0x2000  }
0xed: {  	s25 =	rddreg [dreg:$0x16]  }
0xee: {  	s28 =	rddreg [dreg:$0x15];
	s12 =	sadd.s32 $0x1, s25  }
0xef: {  	p0 =	sne.s32 s12, s28  }
.Ltmp1:
0xf0: {  	_ = 	snop;
	(pc) =	sbr.rel @p0 .LBB2_1-.Ltmp1, $3  }
0xf1: {  	_ =	sdelay $0x1  }
0xf2: {  	[sflag:s10] =	ssyncset.done $0x0  }
0xf3: {  	[sflag:s10] =	ssyncadd.s32 $0xFFFFE000  }
0xf4: {  	_ =	sfence.sel $0x180000  }
0xf5: {  	[bflag:$0x0] =	sbarrier.arrive $0xFFFF  }
0xf6: {  	_ =	strace $0x90000047  }
0xf7: {  	s0 =	stileid.u32;
	[bflag:$0x2] =	sbarrier.arrive $0xFFFF  }
0xf8: {  	p0 =	sne.s32 s0, $0x0;
	s0 =	rddreg [dreg:$0x3]  }
0xf9: {  	s0 =	sadd.s32 @!p0 $0x100000, s0  }
0xfa: {  	[sflag:s0] =	ssyncadd.tile.s32 @!p0 $0x1;
	_ =	shalt  }
.Lfunc_end2:
_tile_overlayer_lowered:
.L_overlay_start_2:
0xfb: {  	(tag) =	ssettag $0x2  }
0xfc: {  	s0 =	rddreg [dreg:$0x0];
	s2 =	stileid.u32  }
0xfd: {  	s1 =	rddreg [dreg:$0x1];
	p0 =	sne.s32 s2, $0x0  }
0xfe: {  	s3 =	rddreg [dreg:$0x2];
	[bflag:$0x3] =	sbarrier.arrive $0xFFFF;
	s2 =	simm.s32 @!p0 $0x1C11  }
0xff: {  	[timem:s3], [sflag:s2] =	dma.local @!p0 [hbm:s0], s1  }
0x100: {  	s0 =	simm.s32 @!p0 $0x11  }
0x101: {  	_ =	swait.ge @!p0 [sflag:s0], s1  }
0x102: {  	s1 =	ssub.s32 @!p0 $0x0, s1;
	[sflag:s0] =	ssyncset.done @!p0 $0x0  }
0x103: {  	[sflag:s0] =	ssyncadd.s32 @!p0 s1  }
0x104: {  	[bflag:$0x3] =	sbarrier.arrive $0xFFFF  }
0x105: {  	_ =	shalt  }

// kernel: sparse-core-data-format-call.cloned.1.call-start
scs
called_computation_lowered:
.L_overlay_start_0:
0x0: {  	s2 =	sld [smem:$0x3FD9]  }
0x1: {  	s3 =	sld [smem:$0x3FFE];
	_ =	sdelay $0x1  }
0x2: {  	s1 =	srdreg.scid  }
0x3: {  	s0 =	sand.u32 $0x1, s1  }
0x4: {  	s18 =	sshll.u32 s0, $0xA;
	s2 =	sadd.s32 s3, s2  }
0x5: {  	s2 =	sadd.s32 s2, s18  }
0x6: {  	[smem:$0x3FC6] =	sst s2  }
0x7: {  	_ = 	snop  }
0x8: {  	s2 =	sld [smem:$0x3FD0];
	(tm) =	ssettm $0x1  }
0x9: {  	s19 =	sld [smem:$0x3FFB];
	_ =	sdelay $0x3  }
0xa: {  	_ =	strace s19  }
0xb: {  	s3 =	sld [smem:$0x3FFC];
	_ =	sdelay $0x3  }
0xc: {  	_ =	strace s3  }
0xd: {  	s3 =	sld [smem:$0x3FFD];
	_ =	sdelay $0x3  }
0xe: {  	_ =	strace s3  }
0xf: {  	_ =	strace $0x8FFFFFFF  }
0x10: {  	s20 =	sld [smem:$0x3FDB];
	_ =	sdelay $0x1  }
0x11: {  	s4 =	simm.s32 $_scs_section_size  }
0x12: {  	s5 =	simm.s32 $_size__tile_overlayer_lowered;
	s6 =	simm.s32 $_tile_overlayer_lowered  }
0x13: {  	s23 =	simm.s32 $0x1BFF;
	s22 =	sshll.u32 s6, $0x1;
	s3 =	sadd.s32 s4, s20  }
0x14: {  	s7 =	simm.s32 $0x0;
	s21 =	sshll.u32 s5, $0x1;
	s5 =	sadd.s32 s22, s3  }
0x15: {  	[timem:s7], [sflag:s23] =	dma.local [hbm:s5], s21  }
0x16: {  	_ =	swait.ge [sflag:s23], s21  }
0x17: {  	s4 =	ssub.s32 $0x0, s21;
	[sflag:s23] =	ssyncset.done $0x0  }
0x18: {  	[sflag:s23] =	ssyncadd.s32 s4;
	_ =	sdelay $0x1  }
0x19: {  	s24 =	simm.s32 $0x1B8B  }
0x1a: {  	_ =	swait.ge [sflag:s24], $0x1  }
0x1b: {  	[sflag:s24] =	ssyncset.done $0x0  }
0x1c: {  	s26 =	simm.s32 $0x1B8E;
	s25 =	sld [smem:$0x3FFE];
	[sflag:s24] =	ssyncadd.s32 $0xFFFFFFFF  }
0x1d: {  	s27 =	simm.s32 $execute0_lowered;
	[smem:$0x3FD2] =	sst s26  }
0x1e: {  	s5 =	sshll.u32 s27, $0x1;
	_ =	strace $0x80000049;
	[dreg:$0x1] =	wrdreg $0xFFFFFFFF  }
0x1f: {  	s28 =	simm.s32 $_size_execute0_lowered;
	s3 =	sadd.s32 s3, s5;
	[dreg:$0x0] =	wrdreg $0x0  }
0x20: {  	s5 =	sshll.u32 s28, $0x1;
	[dreg:$0x2] =	wrdreg s3  }
0x21: {  	[dreg:$0x3] =	wrdreg s5  }
0x22: {  	[dreg:$0x4] =	wrdreg $0xC0  }
0x23: {  	_ =	task [dreg:s7], $0x5FFFF  }
0x24: {  	[dreg:$0x1] =	wrdreg $0xFFFFFFFF  }
0x25: {  	[dreg:$0x0] =	wrdreg $0x60  }
0x26: {  	[dreg:$0x2] =	wrdreg s25  }
0x27: {  	[dreg:$0x3] =	wrdreg s2  }
0x28: {  	[dreg:$0x4] =	wrdreg $0x9  }
0x29: {  	_ =	task.clear_ibuf [dreg:s7], $0x5FFFF;
	_ =	strace $0x90000049  }
0x2a: {  	s29 =	simm.s32 $0x9;
	_ =	strace $0x8000004B  }
0x2b: {  	_ =	swait.ge [sflag:s29], $0x1  }
0x2c: {  	[sflag:s29] =	ssyncadd.s32 $0xFFFFFFFF  }
0x2d: {  	_ =	strace $0x9000004B  }
0x2e: {  	_ =	sfence  }
0x2f: {  	s30 =	sld [smem:$0x0];
	_ =	sdelay $0x2  }
0x30: {  	s31 =	sshll.u32 s1, $0xD;
	s1 =	sshrl.u32 s1, $0x2  }
0x31: {  	s3 =	sand.u32 $0x4000, s31;
	s1 =	sadd.s32 s1, s30  }
0x32: {  	s0 =	sor.u32 s3, s0;
	s1 =	sshll.u32 s1, $0x11  }
0x33: {  	s0 =	sor.u32 s1, s0  }
0x34: {  	s0 =	sadd.s32 $0x8F2B, s0  }
0x35: {  	[sflag:s0] =	ssyncadd.remote.s32 $0x1  }
0x36: {  	_ =	sfence.sel $0xFFFF  }
0x37: {  	[dreg:$0x0] =	wrdreg $0xFFFFFFFF;
	(pc) =	sbr.abs _section_cstart, $3  }
0x38: {  	[dreg:$0x1] =	wrdreg $0xFFFFFFFF  }
0x39: {  	_ =	task.clear_ibuf [dreg:s7], $0x2FFFF;
	_ =	strace $0x9FFFFFFF  }
0x3a: {  	(tm) =	ssettm $0x7FFFFFFF  }
0x3b: {  	_ =	shalt  }
tec
execute0_lowered:
.L_overlay_start_1:
0x0: {  	(tag) =	ssettag $0x1  }
0x1: {  	s0 =	srdreg.scid  }
0x2: {  	s1 =	sshll.u32 s0, $0x4  }
0x3: {  	s4 =	rddreg [dreg:$0x0];
	s0 =	stileid.u32;
	s1 =	sand.u32 $0x10, s1  }
0x4: {  	s2 =	rddreg [dreg:$0x1];
	s7 =	simm.s32 $0x1;
	s1 =	sor.u32 s0, s1  }
0x5: {  	s8 =	simm.s32 $0x2;
	s11 =	simm.s32 $0x0;
	s3 =	sshll.u32 s1, $0x7  }
0x6: {  	s10 =	simm.s32 $0x0;
	s4 =	sadd.s32 $0x800, s4;
	s6 =	ssub.s32 $0xC8000, s3  }
.Ltmp0:
0x7: {  	s1 =	rddreg [dreg:$0x2];
	s5 =	sand.u32 $0xF80, s6;
	(pc) =	sbr.rel .LBB1_1-.Ltmp0, $4  }
0x8: {  	_ =	strace $0x8000004A;
	s9 =	smov.u32 s3;
	p0 =	sne.s32 s5, $0x0  }
0x9: {  	s6 =	sshrl.u32 s6, $0xC;
	s5 =	simm.s32 $0x1;
	s7 =	simm.s32 @!p0 $0x0  }
0xa: {  	[sflag:s5] =	ssyncpa.u1 $0x0;
	p0 =	por $0x0, $0x0;
	s6 =	sadd.s32 s7, s6  }
0xb: {  	[sflag:s8] =	ssyncpa.u1 $0x0;
	s8 =	simm.s32 $0x640000;
	s7 =	sadd.s32 $0x1, s6  }
.LBB1_4:
0xc: {  	s14 =	sshll.u32 s11, $0x3  }
0xd: {  	s30 =	sand.u32 $0x7F, s11;
	s15 =	sand.u32 $0xFFFFFC00, s14  }
0xe: {  	s11 =	sor.u32 s30, s15  }
0xf: {  	s15 =	smulhi.u32 $0x51EB851F, s11  }
0x10: {  	s14 =	smulhi.u32 $0x51EB851F, s14  }
0x11: {  	s15 =	sshrl.u32 s15, $0x12  }
0x12: {  	s14 =	sshrl.u32 s14, $0x12;
	s15 =	smul.u32 $0xC8000, s15  }
0x13: {  	s14 =	sand.u32 $0x3F, s14  }
0x14: {  	s14 =	smul.u32 $0x19000, s14;
	s11 =	ssub.s32 s11, s15  }
0x15: {  	[tilespmem:s13+$0x810 ss:$0x81] =	vst.msk $0xffff, v2;
	s15 =	sand.u32 $0x7, s11  }
0x16: {  	[tilespmem:s13+$0x1020 ss:$0x81] =	vst.msk $0xffff, v0;
	s14 =	sadd.s32 s2, s14;
	s11 =	sshrl.u32 s11, $0x3;
	s15 =	sshll.u32 s15, $0x12  }
0x17: {  	[tilespmem:s13+$0x0 ss:$0x81] =	vst.msk $0xffff, v1;
	s11 =	sadd.s32 s11, s14;
	s31 =	sor.u32 $0x400, s15  }
0x18: {  	[hbm4b:s11+s31] =	stream.strided.scatter [tilespmem:s12], [sflag:$0x2], $0x2000, s8, s31, $0x20;
	[tilespmem:$0x8080] =	vst v63  }
.LBB1_5:
0x19: {  	s13 =	sadd.s32 $0x1000, s9  }
0x1a: {  	p2 =	sgt.s32 s13, $0xC7FFF  }
0x1b: {  	s13 =	smov.u32 @p2 s3;
	p2 =	sne.s32 s10, s7  }
.Ltmp1:
0x1c: {  	p1 =	slt.u32 s10, $0x2;
	(pc) =	sbr.rel @!p2 .LBB1_6-.Ltmp1, $4  }
0x1d: {  	s12 =	simm.s32 @!p1 $0x2  }
0x1e: {  	s14 =	sadd.s32 $0x1, s10;
	_ =	swait.ge @!p1 [sflag:s12], $0x2000  }
0x1f: {  	s11 =	smov.u32 s9;
	p0 =	por !p0, !p0;
	[sflag:s12] =	ssyncset.done @!p1 $0x0  }
0x20: {  	s10 =	smov.u32 s14;
	s9 =	smov.u32 s13;
	[sflag:s12] =	ssyncadd.s32 @!p1 $0xFFFFE000  }
.LBB1_1:
0x21: {  	p1 =	sge.u32 s10, s6  }
0x22: {  	s12 =	sand.u32 @!p1 $0x1FFFFFF, s9  }
0x23: {  	s13 =	smulhi.u32 @!p1 $0x147AE15, s12;
	_ =	sdelay $0x1  }
0x24: {  	s13 =	sshrl.u32 @!p1 s13, $0xC  }
0x25: {  	s13 =	smul.u32 @!p1 $0xC8000, s13;
	_ =	sdelay $0x1  }
0x26: {  	s31 =	sadd.s32 $0xFFFFFFFF, s10;
	s14 =	sxor.u32 @!p1 $0xFFFFFFFF, s10;
	s12 =	ssub.s32 @!p1 s12, s13  }
0x27: {  	s15 =	simm.s32 @!p1 $0x80;
	s14 =	sshll.u32 @!p1 s14, $0xD;
	s12 =	sshll.u32 @!p1 s12, $0x4  }
0x28: {  	s13 =	sand.u32 @!p1 $0x2000, s14;
	s14 =	simm.s32 @!p1 $0x40;
	s12 =	sadd.s32 @!p1 s4, s12  }
0x29: {  	[tilespmem:s13], [sflag:$0x1] =	stream.strided.gather @!p1 [hbm4b:s12+s14], $0x2000, s15, s14, $0x38;
	[tilespmem:$0x8080] =	vst v63  }
0x2a: {  	p1 =	sge.u32 s31, s6  }
.Ltmp2:
0x2b: {  	_ = 	snop;
	(pc) =	sbr.rel @p1 .LBB1_5-.Ltmp2, $1  }
0x2c: {  	_ =	sdelay $0x3  }
0x2d: {  	s12 =	simm.s32 $0x1  }
0x2e: {  	_ =	swait.ge [sflag:s5], $0x2000;
	s12 =	simm.s32 @!p0 $0x0  }
0x2f: {  	[sflag:s5] =	ssyncset.done $0x0;
	s13 =	sshll.u32 s12, $0xD  }
0x30: {  	[sflag:s5] =	ssyncadd.s32 $0xFFFFE000;
	s16 =	sor.u32 $0x20, s13  }
0x31: {  	s12 =	smul.u32 $0x8100, s12;
	v3 =	vld [tilespmem:s16+$0x10]  }
0x32: {  	s30 =	sand.u32 $0x1, s10;
	v2 =	vld [tilespmem:s16+$0xFFFFFFF0]  }
0x33: {  	s13 =	smul.u32 $0x8100, s30;
	s12 =	sshrl.u32 s12, $0x2;
	v0 =	vld [tilespmem:s16+$0x0]  }
0x34: {  	v1 =	vld [tilespmem:s16+$0xFFFFFFE0];
	s14 =	sor.u32 $0x4000, s12  }
0x35: {  	s31 =	sshrl.u32 s13, $0x2;
	s13 =	sadd.s32 $0x0, s14  }
0x36: {  	s15 =	simm.s32 $0x4;
	s16 =	sadd.s32 $0x40, s16;
	s12 =	sor.u32 $0x4000, s31;
	[tilespmem:s13+$0x1830 ss:$0x81] =	vst.msk $0xffff, v3  }
.LBB1_3:
0x37: {  	v3 =	vld [tilespmem:s16+$0x10];
	p1 =	sne.s32 s15, $0x1FC;
	[tilespmem:s13+$0x810 ss:$0x81] =	vst.msk $0xffff, v2;
	s17 =	smov.u32 s15;
	s15 =	sadd.s32 $0x4, s15  }
.Ltmp3:
0x38: {  	v2 =	vld [tilespmem:s16+$0xFFFFFFF0];
	[tilespmem:s13+$0x1020 ss:$0x81] =	vst.msk $0xffff, v0;
	(pc) =	sbr.rel @p1 .LBB1_3-.Ltmp3, $4  }
0x39: {  	v0 =	vld [tilespmem:s16+$0x0];
	[tilespmem:s13+$0x0 ss:$0x81] =	vst.msk $0xffff, v1  }
0x3a: {  	s13 =	sshra.s32 s17, $0x2;
	v1 =	vld [tilespmem:s16+$0xFFFFFFE0]  }
0x3b: {  	s13 =	sadd.s32 s13, s14  }
0x3c: {  	s16 =	sadd.s32 $0x40, s16;
	[tilespmem:s13+$0x1830 ss:$0x81] =	vst.msk $0xffff, v3  }
.Ltmp4:
0x3d: {  	_ = 	snop;
	(pc) =	sbr.rel .LBB1_4-.Ltmp4, $1  }
0x3e: {  	_ =	sdelay $0x3  }
.LBB1_6:
0x3f: {  	_ =	sfence.sel $0x180000  }
0x40: {  	s2 =	simm.s32 $0x1;
	[bflag:$0x0] =	sbarrier.arrive $0xFFFF  }
0x41: {  	s31 =	simm.s32 $0x2;
	[sflag:s2] =	ssyncpa.u1 $0x1  }
0x42: {  	[sflag:s31] =	ssyncpa.u1 $0x1  }
0x43: {  	p0 =	sne.s32 s0, $0x0;
	_ =	strace $0x9000004A  }
0x44: {  	s0 =	sadd.s32 @!p0 $0x100000, s1;
	[bflag:$0x2] =	sbarrier.arrive $0xFFFF  }
0x45: {  	[sflag:s0] =	ssyncadd.tile.s32 @!p0 $0x1;
	_ =	shalt  }
.Lfunc_end1:
_tile_overlayer_lowered:
.L_overlay_start_2:
0x46: {  	(tag) =	ssettag $0x2  }
0x47: {  	s0 =	rddreg [dreg:$0x0];
	s2 =	stileid.u32  }
0x48: {  	s1 =	rddreg [dreg:$0x1];
	p0 =	sne.s32 s2, $0x0  }
0x49: {  	s3 =	rddreg [dreg:$0x2];
	[bflag:$0x3] =	sbarrier.arrive $0xFFFF;
	s2 =	simm.s32 @!p0 $0x1C01  }
0x4a: {  	[timem:s3], [sflag:s2] =	dma.local @!p0 [hbm:s0], s1  }
0x4b: {  	s0 =	simm.s32 @!p0 $0x1  }
0x4c: {  	_ =	swait.ge @!p0 [sflag:s0], s1  }
0x4d: {  	s1 =	ssub.s32 @!p0 $0x0, s1;
	[sflag:s0] =	ssyncset.done @!p0 $0x0  }
0x4e: {  	[sflag:s0] =	ssyncadd.s32 @!p0 s1  }
0x4f: {  	[bflag:$0x3] =	sbarrier.arrive $0xFFFF  }
0x50: {  	_ =	shalt  }

</sc_bundles>
